<compile_context>
chip_gen: v7x
topology: tpu7x:2x2x1
jax: 0.10.2.dev20260603
libtpu: 0.0.44.dev20260713+nightly
codegen_flags: <defaults>
</compile_context>

<pallas_src>
import functools

import jax
import jax.numpy as jnp
from jax import lax
from jax.experimental import pallas as pl
from jax.experimental.pallas import tpu as pltpu
from jax.experimental.pallas import tpu_sc as plsc

_NUM_SC_CORES = 2
_NUM_SC_SUBCORES = 16
_LANES = 16


def _make_hist_kernel(num_rows: int, n_sel: int, n_bins: int):
  n_workers = _NUM_SC_CORES * _NUM_SC_SUBCORES
  rows_per_w = num_rows // n_workers
  assert num_rows % n_workers == 0
  assert n_sel % _LANES == 0 and n_bins % _LANES == 0
  mesh = plsc.VectorSubcoreMesh(
      core_axis_name="c", subcore_axis_name="s", num_cores=_NUM_SC_CORES,
      num_subcores=_NUM_SC_SUBCORES)

  @functools.partial(
      pl.kernel,
      mesh=mesh,
      out_type=jax.ShapeDtypeStruct((num_rows, n_bins), jnp.float32),
      scratch_types=[
          pltpu.VMEM((n_sel,), jnp.int32),
          pltpu.VMEM((_LANES * n_bins,), jnp.float32),
          pltpu.VMEM((n_bins,), jnp.float32),
      ],
      compiler_params=pltpu.CompilerParams(needs_layout_passes=False),
  )
  def hist_kernel(idx_hbm, out_hbm, idx_v, hist_v, red_v):
    wid = lax.axis_index("s") * _NUM_SC_CORES + lax.axis_index("c")
    base = wid * rows_per_w
    lane_off = lax.iota(jnp.int32, _LANES) * n_bins
    ones = jnp.ones((_LANES,), jnp.float32)
    zeros = jnp.zeros((_LANES,), jnp.float32)

    def zero_body(i, _):
      for u in range(8):
        hist_v[pl.ds((i * 8 + u) * _LANES, _LANES)] = zeros
      return 0
    lax.fori_loop(0, (_LANES * n_bins) // (_LANES * 8), zero_body, 0)

    def row_body(r, _):
      row = base + r
      pltpu.sync_copy(idx_hbm.at[row], idx_v)

      def scat_body(v, _):
        iv = idx_v[pl.ds(v * _LANES, _LANES)]
        plsc.addupdate_scatter(hist_v, [iv + lane_off], ones)
        return 0
      lax.fori_loop(0, n_sel // _LANES, scat_body, 0)

      def red_body(g, _):
        s = g * _LANES
        acc = hist_v[pl.ds(s, _LANES)]
        hist_v[pl.ds(s, _LANES)] = zeros
        for ln in range(1, _LANES):
          sl = pl.ds(ln * n_bins + s, _LANES)
          acc = acc + hist_v[sl]
          hist_v[sl] = zeros
        red_v[pl.ds(s, _LANES)] = acc
        return 0
      lax.fori_loop(0, n_bins // _LANES, red_body, 0)

      pltpu.sync_copy(red_v, out_hbm.at[row])
      return 0
    lax.fori_loop(0, rows_per_w, row_body, 0)

  return hist_kernel


def _ori_body(win_ref, scale_ref, q_ref, ko_ref,
              mo_ref, lo_ref, acco_ref, *, ko_base, dv):
  b = pl.program_id(0)
  scale = scale_ref[0, 0]
  q = q_ref[0]

  dims = (((1,), (1,)), ((), ()))
  mm = (((1,), (0,)), ((), ()))

  lg = lax.dot_general(q, ko_ref[...], dims,
                       preferred_element_type=jnp.float32) * scale
  j = lax.broadcasted_iota(jnp.int32, (1, ko_ref.shape[0]), 1) + ko_base
  valid = (j >= win_ref[b, 0]) & (j <= win_ref[b, 1])
  lg = jnp.where(valid, lg, jnp.float32(-1e30))
  m = jnp.max(lg, axis=1, keepdims=True)
  e = jnp.exp(lg - m)
  mo_ref[0] = m
  lo_ref[0] = jnp.sum(e, axis=1, keepdims=True)
  acco_ref[0] = lax.dot_general(e, ko_ref[:, :dv], mm,
                                preferred_element_type=jnp.float32)


def _cmp_body(scale_ref, q_ref, kc_ref, cnt_ref, sink_ref,
              mo_ref, lo_ref, acco_ref, o_ref, *, dv):
  scale = scale_ref[0, 0]
  q = q_ref[0]
  cnt = cnt_ref[...]
  sink = sink_ref[:, :1]
  m_o = mo_ref[0]
  l_o = lo_ref[0]
  acc_o = acco_ref[0]

  dims = (((1,), (1,)), ((), ()))
  mm = (((1,), (0,)), ((), ()))
  lg = lax.dot_general(q, kc_ref[...], dims,
                       preferred_element_type=jnp.float32) * scale
  lg = jnp.where(cnt > 0, lg, jnp.float32(-1e30))
  m = jnp.maximum(jnp.max(lg, axis=1, keepdims=True), m_o)
  m = jnp.maximum(m, sink)
  alpha = jnp.exp(m_o - m)
  ec = cnt * jnp.exp(lg - m)
  denom = l_o * alpha + jnp.sum(ec, axis=1, keepdims=True) + jnp.exp(sink - m)
  acc = acc_o * alpha + lax.dot_general(ec, kc_ref[:, :dv], mm,
                                        preferred_element_type=jnp.float32)
  o_ref[0] = acc / denom


def kernel(q, ori_kv, cmp_kv, cmp_sparse_indices, ori_block_table,
           cmp_block_table, cu_seqlens_q, seqused_kv, sinks, metadata,
           kv_quant_mode, tile_size, rope_head_dim, softmax_scale, cmp_ratio,
           ori_mask_mode, cmp_mask_mode, ori_win_left, ori_win_right,
           layout_q, layout_kv):
  B, H, Dq = q.shape
  Dv = Dq - 64
  page = ori_kv.shape[1]
  L = (ori_kv.shape[0] // B) * page
  Lc = (cmp_kv.shape[0] // B) * page
  n_sel = cmp_sparse_indices.shape[-1]

  idx_flat = cmp_sparse_indices.reshape(B * H, n_sel)
  cnt = _make_hist_kernel(B * H, n_sel, Lc)(idx_flat)

  pps = L // page
  wp = 9
  ko_base = L - wp * page
  pos = seqused_kv.astype(jnp.int32) - 1
  lo = pos - ori_win_left
  hi = jnp.minimum(pos + ori_win_right, pos)
  win = jnp.stack([lo, hi], axis=1)
  sinks_b = jnp.broadcast_to(sinks[:, None], (H, 128))
  scale_arr = softmax_scale.reshape(1, 1)

  smem = functools.partial(pl.BlockSpec, memory_space=pltpu.SMEM)
  first_page = pps - wp
  ko_rows = ori_kv.reshape(B, pps, page, Dq)[:, first_page:]
  ko_rows = ko_rows.reshape(B * wp * page, Dq)
  kc_rows = cmp_kv.reshape(B * Lc, Dq)
  wrows = wp * page
  mo, lsum, acco = pl.pallas_call(
      functools.partial(_ori_body, ko_base=ko_base, dv=Dv),
      grid=(B,),
      in_specs=[
          smem((B, 2), lambda b: (0, 0)),
          smem((1, 1), lambda b: (0, 0)),
          pl.BlockSpec((1, H, Dq), lambda b: (b, 0, 0)),
          pl.BlockSpec((wrows, Dq), lambda b: (b, 0)),
      ],
      out_specs=[
          pl.BlockSpec((1, H, 1), lambda b: (b, 0, 0)),
          pl.BlockSpec((1, H, 1), lambda b: (b, 0, 0)),
          pl.BlockSpec((1, H, Dv), lambda b: (b, 0, 0)),
      ],
      out_shape=[
          jax.ShapeDtypeStruct((B, H, 1), jnp.float32),
          jax.ShapeDtypeStruct((B, H, 1), jnp.float32),
          jax.ShapeDtypeStruct((B, H, Dv), jnp.float32),
      ],
      compiler_params=pltpu.CompilerParams(
          dimension_semantics=("arbitrary",)),
  )(win, scale_arr, q, ko_rows)

  out = pl.pallas_call(
      functools.partial(_cmp_body, dv=Dv),
      grid=(B,),
      in_specs=[
          smem((1, 1), lambda b: (0, 0)),
          pl.BlockSpec((1, H, Dq), lambda b: (b, 0, 0)),
          pl.BlockSpec((Lc, Dq), lambda b: (b, 0)),
          pl.BlockSpec((H, Lc), lambda b: (b, 0)),
          pl.BlockSpec((H, 128), lambda b: (0, 0)),
          pl.BlockSpec((1, H, 1), lambda b: (b, 0, 0)),
          pl.BlockSpec((1, H, 1), lambda b: (b, 0, 0)),
          pl.BlockSpec((1, H, Dv), lambda b: (b, 0, 0)),
      ],
      out_specs=pl.BlockSpec((1, H, Dv), lambda b: (b, 0, 0)),
      out_shape=jax.ShapeDtypeStruct((B, H, Dv), jnp.float32),
      compiler_params=pltpu.CompilerParams(
          dimension_semantics=("arbitrary",)),
  )(scale_arr, q, kc_rows, cnt, sinks_b, mo, lsum, acco)
  return out

# --- scband reference (transcript-rebuilt; emitter-appended) ---
"""Pipeline reference for scband-network-7086696039146 (READ-ONLY COPY).

The authoritative reference and input builder live on the scoring server;
editing this copy changes nothing except your own understanding.
"""

import jax, jax.numpy as jnp
import numpy as np


def setup_inputs(seed: int = 0) -> dict:
    key = jax.random.key(seed)
    ks = jax.random.split(key, 8)
    B, H, Dq = 8, 32, 576
    page = 128
    L = 4096
    pages_per_seq = L // page
    total_pages = B * pages_per_seq
    cmp_ratio = 4
    Lc = L // cmp_ratio
    cmp_pages_per_seq = Lc // page
    cmp_total_pages = B * cmp_pages_per_seq
    n_sel = 256
    inp = {}
    inp["q"] = jax.random.normal(ks[0], (B, H, Dq), jnp.float32)
    inp["ori_kv"] = jax.random.normal(ks[1], (total_pages, page, Dq), jnp.float32)
    inp["cmp_kv"] = jax.random.normal(ks[2], (cmp_total_pages, page, Dq), jnp.float32)
    inp["cmp_sparse_indices"] = jax.random.randint(ks[3], (B, H, n_sel), 0, Lc, jnp.int32)
    inp["ori_block_table"] = jnp.arange(total_pages, dtype=jnp.int32).reshape(B, pages_per_seq)
    inp["cmp_block_table"] = jnp.arange(cmp_total_pages, dtype=jnp.int32).reshape(B, cmp_pages_per_seq)
    inp["cu_seqlens_q"] = jnp.arange(B + 1, dtype=jnp.int32)
    inp["seqused_kv"] = jnp.full((B,), L, dtype=jnp.int32)
    inp["sinks"] = jax.random.normal(ks[4], (H,), jnp.float32)
    inp["metadata"] = jnp.zeros((1,), jnp.float32)
    inp["kv_quant_mode"] = 0
    inp["tile_size"] = 128
    inp["rope_head_dim"] = 64
    inp["softmax_scale"] = jnp.array([1.0 / np.sqrt(float(Dq))], jnp.float32)
    inp["cmp_ratio"] = cmp_ratio
    inp["ori_mask_mode"] = 1
    inp["cmp_mask_mode"] = 0
    inp["ori_win_left"] = 1024
    inp["ori_win_right"] = 0
    inp["layout_q"] = 0
    inp["layout_kv"] = 0
    return inp


def reference(q, ori_kv, cmp_kv, cmp_sparse_indices, ori_block_table, cmp_block_table,
              cu_seqlens_q, seqused_kv, sinks, metadata, kv_quant_mode, tile_size,
              rope_head_dim, softmax_scale, cmp_ratio, ori_mask_mode, cmp_mask_mode,
              ori_win_left, ori_win_right, layout_q, layout_kv):
    B, H, Dq = q.shape
    Dv = Dq - 64  # shared-KV: V is the latent part of K (MLA absorbed)
    scale = softmax_scale[0] + jnp.float32(0) * jnp.asarray(rope_head_dim - 64, jnp.float32)
    # paged gather of original shared KV: [B, pages, page, Dq] -> [B, L, Dq]
    K_ori = jnp.take(ori_kv, ori_block_table, axis=0).reshape(B, -1, Dq)
    L = K_ori.shape[1]
    V_ori = K_ori[..., :Dv]
    # paged gather of compressed shared KV
    K_cmp_full = jnp.take(cmp_kv, cmp_block_table, axis=0).reshape(B, -1, Dq)
    # per-(batch, head) sparse selection of compressed tokens
    K_sel = jnp.take_along_axis(K_cmp_full[:, None, :, :], cmp_sparse_indices[..., None], axis=2)  # [B,H,S,Dq]
    V_sel = K_sel[..., :Dv]
    # original branch logits with sliding-window causal mask (decode: query at pos seqused-1)
    logit_ori = jnp.einsum('bhd,bld->bhl', q, K_ori) * scale
    pos_q = (seqused_kv - 1).astype(jnp.int32)
    j = jnp.arange(L, dtype=jnp.int32)
    valid = (j[None, :] <= pos_q[:, None] + ori_win_right) \
            & (j[None, :] >= pos_q[:, None] - ori_win_left) \
            & (j[None, :] < seqused_kv[:, None])
    logit_ori = jnp.where(valid[:, None, :], logit_ori, jnp.float32(-1e30))
    # compressed branch logits (unmasked, cmp_mask_mode=0)
    logit_cmp = jnp.einsum('bhd,bhsd->bhs', q, K_sel) * scale
    # per-head attention sink logit (contributes to denominator only)
    sink_logit = jnp.broadcast_to(sinks[None, :, None], (B, H, 1))
    logits = jnp.concatenate([logit_ori, logit_cmp, sink_logit], axis=-1)
    m = jnp.max(logits, axis=-1, keepdims=True)
    e = jnp.exp(logits - m)
    w = e / jnp.sum(e, axis=-1, keepdims=True)
    w_ori = w[..., :L]
    w_cmp = w[..., L:L + logit_cmp.shape[-1]]
    out = jnp.einsum('bhl,bld->bhd', w_ori, V_ori) + jnp.einsum('bhs,bhsd->bhd', w_cmp, V_sel)
    return out

if __name__ == "__main__":
    import jax
    _d = setup_inputs()
    print(jax.jit(kernel)(*tuple(_d.values())))

</pallas_src>

<mosaic_0001>
#map = affine_map<(d0, d1) -> (0, 0)>
module attributes {stable_mosaic.version = 14 : i64} {
  func.func @hist_kernel(%arg0: i32, %arg1: i32, %arg2: memref<256x256xi32, #tpu.memory_space<hbm>>, %arg3: memref<256x1024xf32, #tpu.memory_space<hbm>>, %arg4: memref<256xi32, #tpu.memory_space<vmem>>, %arg5: memref<16384xf32, #tpu.memory_space<vmem>>, %arg6: memref<1024xf32, #tpu.memory_space<vmem>>) attributes {dimension_semantics = [#tpu.dimension_semantics<core_parallel>, #tpu.dimension_semantics<subcore_parallel>], iteration_bounds = array<i64: 2, 16>, scalar_prefetch = 0 : i64, scratch_operands = 3 : i64, tpu.core_type = #tpu.core_type<sc_vector_subcore>, window_params = [{transform_indices = #map}, {transform_indices = #map}]} {
    %mul3A = arith.constant 2 : i32
    %mul3A_0 = arith.muli %arg1, %mul3A : i32
    %add3A = arith.addi %mul3A_0, %arg0 : i32
    %mul3A_1 = arith.constant 8 : i32
    %mul3A_2 = arith.muli %add3A, %mul3A_1 : i32
    %iota3A = tpu.iota {dimensions = array<i32: 0>} : vector<16xi32>
    %mul3A_3 = arith.constant 1024 : i32
    %mul3A_4 = vector.broadcast %mul3A_3 : i32 to vector<16xi32>
    %mul3A_5 = arith.muli %iota3A, %mul3A_4 : vector<16xi32>
    %broadcast_in_dim3A = arith.constant 1.000000e+00 : f32
    %broadcast_in_dim3A_6 = vector.broadcast %broadcast_in_dim3A : f32 to vector<16xf32>
    %broadcast_in_dim3A_7 = arith.constant 0.000000e+00 : f32
    %broadcast_in_dim3A_8 = vector.broadcast %broadcast_in_dim3A_7 : f32 to vector<16xf32>
    %scan3A = arith.constant 0 : i32
    %scan3A_9 = arith.constant 0 : i32
    %scan3A_10 = arith.constant 128 : i32
    %scan3A_11 = arith.addi %scan3A_9, %scan3A_10 : i32
    %scan3A_12 = arith.constant 1 : i32
    %scan3A_13 = scf.for %scan3A_22 = %scan3A_9 to %scan3A_11 step %scan3A_12 iter_args(%scan3A_23 = %scan3A) -> (i32)  : i32 {
      %mul3A_24 = arith.constant 8 : i32
      %mul3A_25 = arith.muli %scan3A_22, %mul3A_24 : i32
      %add3A_26 = arith.constant 0 : i32
      %add3A_27 = arith.addi %mul3A_25, %add3A_26 : i32
      %mul3A_28 = arith.constant 16 : i32
      %mul3A_29 = arith.muli %add3A_27, %mul3A_28 : i32
      %swap3A = arith.index_cast %mul3A_29 : i32 to index
      %swap3A_30 = tpu.vector_load %arg5[%swap3A] {strides = array<i32>} : memref<16384xf32, #tpu.memory_space<vmem>>, vector<16xf32>,
      tpu.vector_store %arg5[%swap3A], %broadcast_in_dim3A_8 {strides = array<i32>} : memref<16384xf32, #tpu.memory_space<vmem>>, vector<16xf32>,
      %mul3A_31 = arith.constant 8 : i32
      %mul3A_32 = arith.muli %scan3A_22, %mul3A_31 : i32
      %add3A_33 = arith.constant 1 : i32
      %add3A_34 = arith.addi %mul3A_32, %add3A_33 : i32
      %mul3A_35 = arith.constant 16 : i32
      %mul3A_36 = arith.muli %add3A_34, %mul3A_35 : i32
      %swap3A_37 = arith.index_cast %mul3A_36 : i32 to index
      %swap3A_38 = tpu.vector_load %arg5[%swap3A_37] {strides = array<i32>} : memref<16384xf32, #tpu.memory_space<vmem>>, vector<16xf32>,
      tpu.vector_store %arg5[%swap3A_37], %broadcast_in_dim3A_8 {strides = array<i32>} : memref<16384xf32, #tpu.memory_space<vmem>>, vector<16xf32>,
      %mul3A_39 = arith.constant 8 : i32
      %mul3A_40 = arith.muli %scan3A_22, %mul3A_39 : i32
      %add3A_41 = arith.constant 2 : i32
      %add3A_42 = arith.addi %mul3A_40, %add3A_41 : i32
      %mul3A_43 = arith.constant 16 : i32
      %mul3A_44 = arith.muli %add3A_42, %mul3A_43 : i32
      %swap3A_45 = arith.index_cast %mul3A_44 : i32 to index
      %swap3A_46 = tpu.vector_load %arg5[%swap3A_45] {strides = array<i32>} : memref<16384xf32, #tpu.memory_space<vmem>>, vector<16xf32>,
      tpu.vector_store %arg5[%swap3A_45], %broadcast_in_dim3A_8 {strides = array<i32>} : memref<16384xf32, #tpu.memory_space<vmem>>, vector<16xf32>,
      %mul3A_47 = arith.constant 8 : i32
      %mul3A_48 = arith.muli %scan3A_22, %mul3A_47 : i32
      %add3A_49 = arith.constant 3 : i32
      %add3A_50 = arith.addi %mul3A_48, %add3A_49 : i32
      %mul3A_51 = arith.constant 16 : i32
      %mul3A_52 = arith.muli %add3A_50, %mul3A_51 : i32
      %swap3A_53 = arith.index_cast %mul3A_52 : i32 to index
      %swap3A_54 = tpu.vector_load %arg5[%swap3A_53] {strides = array<i32>} : memref<16384xf32, #tpu.memory_space<vmem>>, vector<16xf32>,
      tpu.vector_store %arg5[%swap3A_53], %broadcast_in_dim3A_8 {strides = array<i32>} : memref<16384xf32, #tpu.memory_space<vmem>>, vector<16xf32>,
      %mul3A_55 = arith.constant 8 : i32
      %mul3A_56 = arith.muli %scan3A_22, %mul3A_55 : i32
      %add3A_57 = arith.constant 4 : i32
      %add3A_58 = arith.addi %mul3A_56, %add3A_57 : i32
      %mul3A_59 = arith.constant 16 : i32
      %mul3A_60 = arith.muli %add3A_58, %mul3A_59 : i32
      %swap3A_61 = arith.index_cast %mul3A_60 : i32 to index
      %swap3A_62 = tpu.vector_load %arg5[%swap3A_61] {strides = array<i32>} : memref<16384xf32, #tpu.memory_space<vmem>>, vector<16xf32>,
      tpu.vector_store %arg5[%swap3A_61], %broadcast_in_dim3A_8 {strides = array<i32>} : memref<16384xf32, #tpu.memory_space<vmem>>, vector<16xf32>,
      %mul3A_63 = arith.constant 8 : i32
      %mul3A_64 = arith.muli %scan3A_22, %mul3A_63 : i32
      %add3A_65 = arith.constant 5 : i32
      %add3A_66 = arith.addi %mul3A_64, %add3A_65 : i32
      %mul3A_67 = arith.constant 16 : i32
      %mul3A_68 = arith.muli %add3A_66, %mul3A_67 : i32
      %swap3A_69 = arith.index_cast %mul3A_68 : i32 to index
      %swap3A_70 = tpu.vector_load %arg5[%swap3A_69] {strides = array<i32>} : memref<16384xf32, #tpu.memory_space<vmem>>, vector<16xf32>,
      tpu.vector_store %arg5[%swap3A_69], %broadcast_in_dim3A_8 {strides = array<i32>} : memref<16384xf32, #tpu.memory_space<vmem>>, vector<16xf32>,
      %mul3A_71 = arith.constant 8 : i32
      %mul3A_72 = arith.muli %scan3A_22, %mul3A_71 : i32
      %add3A_73 = arith.constant 6 : i32
      %add3A_74 = arith.addi %mul3A_72, %add3A_73 : i32
      %mul3A_75 = arith.constant 16 : i32
      %mul3A_76 = arith.muli %add3A_74, %mul3A_75 : i32
      %swap3A_77 = arith.index_cast %mul3A_76 : i32 to index
      %swap3A_78 = tpu.vector_load %arg5[%swap3A_77] {strides = array<i32>} : memref<16384xf32, #tpu.memory_space<vmem>>, vector<16xf32>,
      tpu.vector_store %arg5[%swap3A_77], %broadcast_in_dim3A_8 {strides = array<i32>} : memref<16384xf32, #tpu.memory_space<vmem>>, vector<16xf32>,
      %mul3A_79 = arith.constant 8 : i32
      %mul3A_80 = arith.muli %scan3A_22, %mul3A_79 : i32
      %add3A_81 = arith.constant 7 : i32
      %add3A_82 = arith.addi %mul3A_80, %add3A_81 : i32
      %mul3A_83 = arith.constant 16 : i32
      %mul3A_84 = arith.muli %add3A_82, %mul3A_83 : i32
      %swap3A_85 = arith.index_cast %mul3A_84 : i32 to index
      %swap3A_86 = tpu.vector_load %arg5[%swap3A_85] {strides = array<i32>} : memref<16384xf32, #tpu.memory_space<vmem>>, vector<16xf32>,
      tpu.vector_store %arg5[%swap3A_85], %broadcast_in_dim3A_8 {strides = array<i32>} : memref<16384xf32, #tpu.memory_space<vmem>>, vector<16xf32>,
      %scan3A_87 = arith.constant 0 : i32
      scf.yield %scan3A_87 : i32
    }
    %scan3A_14 = arith.constant 128 : i32
    %scan3A_15 = arith.constant 0 : i32
    %scan3A_16 = arith.constant 0 : i32
    %scan3A_17 = arith.constant 8 : i32
    %scan3A_18 = arith.addi %scan3A_16, %scan3A_17 : i32
    %scan3A_19 = arith.constant 1 : i32
    %scan3A_20 = scf.for %scan3A_22 = %scan3A_16 to %scan3A_18 step %scan3A_19 iter_args(%scan3A_23 = %scan3A_15) -> (i32)  : i32 {
      %add3A_24 = arith.addi %mul3A_2, %scan3A_22 : i32
      "tpu.region"() ({
        %run_scoped3A = tpu.sem_alloc : memref<!tpu.dma_semaphore, #tpu.memory_space<semaphore_mem>>
        %dma_start3A = arith.constant 0 : i32
        %dma_start3A_40 = tpu.memref_slice %arg2[%add3A_24, %dma_start3A] : memref<256x256xi32, #tpu.memory_space<hbm>> -> memref<1x256xi32, #tpu.memory_space<hbm>>
        %dma_start3A_41 = tpu.memref_squeeze %dma_start3A_40 : memref<1x256xi32, #tpu.memory_space<hbm>> -> memref<256xi32, #tpu.memory_space<hbm>>
        %dma_start3A_42 = arith.constant 0 : i32
        %dma_start3A_43 = tpu.memref_slice %arg2[%add3A_24, %dma_start3A_42] : memref<256x256xi32, #tpu.memory_space<hbm>> -> memref<1x256xi32, #tpu.memory_space<hbm>>
        %dma_start3A_44 = tpu.memref_squeeze %dma_start3A_43 : memref<1x256xi32, #tpu.memory_space<hbm>> -> memref<256xi32, #tpu.memory_space<hbm>>
        tpu.enqueue_dma source(%dma_start3A_44 : memref<256xi32, #tpu.memory_space<hbm>>) target(%arg4 : memref<256xi32, #tpu.memory_space<vmem>>) target_semaphore(%run_scoped3A : memref<!tpu.dma_semaphore, #tpu.memory_space<semaphore_mem>>)
        %dma_wait3A = arith.constant 0 : i32
        %dma_wait3A_45 = tpu.memref_slice %arg2[%add3A_24, %dma_wait3A] : memref<256x256xi32, #tpu.memory_space<hbm>> -> memref<1x256xi32, #tpu.memory_space<hbm>>
        %dma_wait3A_46 = tpu.memref_squeeze %dma_wait3A_45 : memref<1x256xi32, #tpu.memory_space<hbm>> -> memref<256xi32, #tpu.memory_space<hbm>>
        %dma_wait3A_47 = arith.constant 0 : i32
        %dma_wait3A_48 = tpu.memref_slice %arg2[%add3A_24, %dma_wait3A_47] : memref<256x256xi32, #tpu.memory_space<hbm>> -> memref<1x256xi32, #tpu.memory_space<hbm>>
        %dma_wait3A_49 = tpu.memref_squeeze %dma_wait3A_48 : memref<1x256xi32, #tpu.memory_space<hbm>> -> memref<256xi32, #tpu.memory_space<hbm>>
        tpu.wait_dma2 semaphore(%run_scoped3A : memref<!tpu.dma_semaphore, #tpu.memory_space<semaphore_mem>>) src(%dma_wait3A_49 : memref<256xi32, #tpu.memory_space<hbm>>) dst(%arg4 : memref<256xi32, #tpu.memory_space<vmem>>)
        tpu.yield
      }) : () -> ()
      %scan3A_25 = arith.constant 0 : i32
      %scan3A_26 = arith.constant 0 : i32
      %scan3A_27 = arith.constant 16 : i32
      %scan3A_28 = arith.addi %scan3A_26, %scan3A_27 : i32
      %scan3A_29 = arith.constant 1 : i32
      %scan3A_30 = scf.for %scan3A_40 = %scan3A_26 to %scan3A_28 step %scan3A_29 iter_args(%scan3A_41 = %scan3A_25) -> (i32)  : i32 {
        %mul3A_42 = arith.constant 16 : i32
        %mul3A_43 = arith.muli %scan3A_40, %mul3A_42 : i32
        %get3A = arith.index_cast %mul3A_43 : i32 to index
        %get3A_44 = tpu.vector_load %arg4[%get3A] {strides = array<i32>} : memref<256xi32, #tpu.memory_space<vmem>>, vector<16xi32>,
        %add3A_45 = arith.addi %get3A_44, %mul3A_5 : vector<16xi32>
        tpu.vector_store_idx %arg5[%add3A_45], %broadcast_in_dim3A_6 {add = true} : memref<16384xf32, #tpu.memory_space<vmem>>[vector<16xi32>], vector<16xf32>,
        %scan3A_46 = arith.constant 0 : i32
        scf.yield %scan3A_46 : i32
      }
      %scan3A_31 = arith.constant 16 : i32
      %scan3A_32 = arith.constant 0 : i32
      %scan3A_33 = arith.constant 0 : i32
      %scan3A_34 = arith.constant 64 : i32
      %scan3A_35 = arith.addi %scan3A_33, %scan3A_34 : i32
      %scan3A_36 = arith.constant 1 : i32
      %scan3A_37 = scf.for %scan3A_40 = %scan3A_33 to %scan3A_35 step %scan3A_36 iter_args(%scan3A_41 = %scan3A_32) -> (i32)  : i32 {
        %mul3A_42 = arith.constant 16 : i32
        %mul3A_43 = arith.muli %scan3A_40, %mul3A_42 : i32
        %get3A = arith.index_cast %mul3A_43 : i32 to index
        %get3A_44 = tpu.vector_load %arg5[%get3A] {strides = array<i32>} : memref<16384xf32, #tpu.memory_space<vmem>>, vector<16xf32>,
        %swap3A = arith.index_cast %mul3A_43 : i32 to index
        %swap3A_45 = tpu.vector_load %arg5[%swap3A] {strides = array<i32>} : memref<16384xf32, #tpu.memory_space<vmem>>, vector<16xf32>,
        tpu.vector_store %arg5[%swap3A], %broadcast_in_dim3A_8 {strides = array<i32>} : memref<16384xf32, #tpu.memory_space<vmem>>, vector<16xf32>,
        %add3A_46 = arith.constant 1024 : i32
        %add3A_47 = arith.addi %add3A_46, %mul3A_43 : i32
        %get3A_48 = arith.index_cast %add3A_47 : i32 to index
        %get3A_49 = tpu.vector_load %arg5[%get3A_48] {strides = array<i32>} : memref<16384xf32, #tpu.memory_space<vmem>>, vector<16xf32>,
        %add3A_50 = arith.addf %get3A_44, %get3A_49 : vector<16xf32>
        %swap3A_51 = arith.index_cast %add3A_47 : i32 to index
        %swap3A_52 = tpu.vector_load %arg5[%swap3A_51] {strides = array<i32>} : memref<16384xf32, #tpu.memory_space<vmem>>, vector<16xf32>,
        tpu.vector_store %arg5[%swap3A_51], %broadcast_in_dim3A_8 {strides = array<i32>} : memref<16384xf32, #tpu.memory_space<vmem>>, vector<16xf32>,
        %add3A_53 = arith.constant 2048 : i32
        %add3A_54 = arith.addi %add3A_53, %mul3A_43 : i32
        %get3A_55 = arith.index_cast %add3A_54 : i32 to index
        %get3A_56 = tpu.vector_load %arg5[%get3A_55] {strides = array<i32>} : memref<16384xf32, #tpu.memory_space<vmem>>, vector<16xf32>,
        %add3A_57 = arith.addf %add3A_50, %get3A_56 : vector<16xf32>
        %swap3A_58 = arith.index_cast %add3A_54 : i32 to index
        %swap3A_59 = tpu.vector_load %arg5[%swap3A_58] {strides = array<i32>} : memref<16384xf32, #tpu.memory_space<vmem>>, vector<16xf32>,
        tpu.vector_store %arg5[%swap3A_58], %broadcast_in_dim3A_8 {strides = array<i32>} : memref<16384xf32, #tpu.memory_space<vmem>>, vector<16xf32>,
        %add3A_60 = arith.constant 3072 : i32
        %add3A_61 = arith.addi %add3A_60, %mul3A_43 : i32
        %get3A_62 = arith.index_cast %add3A_61 : i32 to index
        %get3A_63 = tpu.vector_load %arg5[%get3A_62] {strides = array<i32>} : memref<16384xf32, #tpu.memory_space<vmem>>, vector<16xf32>,
        %add3A_64 = arith.addf %add3A_57, %get3A_63 : vector<16xf32>
        %swap3A_65 = arith.index_cast %add3A_61 : i32 to index
        %swap3A_66 = tpu.vector_load %arg5[%swap3A_65] {strides = array<i32>} : memref<16384xf32, #tpu.memory_space<vmem>>, vector<16xf32>,
        tpu.vector_store %arg5[%swap3A_65], %broadcast_in_dim3A_8 {strides = array<i32>} : memref<16384xf32, #tpu.memory_space<vmem>>, vector<16xf32>,
        %add3A_67 = arith.constant 4096 : i32
        %add3A_68 = arith.addi %add3A_67, %mul3A_43 : i32
        %get3A_69 = arith.index_cast %add3A_68 : i32 to index
        %get3A_70 = tpu.vector_load %arg5[%get3A_69] {strides = array<i32>} : memref<16384xf32, #tpu.memory_space<vmem>>, vector<16xf32>,
        %add3A_71 = arith.addf %add3A_64, %get3A_70 : vector<16xf32>
        %swap3A_72 = arith.index_cast %add3A_68 : i32 to index
        %swap3A_73 = tpu.vector_load %arg5[%swap3A_72] {strides = array<i32>} : memref<16384xf32, #tpu.memory_space<vmem>>, vector<16xf32>,
        tpu.vector_store %arg5[%swap3A_72], %broadcast_in_dim3A_8 {strides = array<i32>} : memref<16384xf32, #tpu.memory_space<vmem>>, vector<16xf32>,
        %add3A_74 = arith.constant 5120 : i32
        %add3A_75 = arith.addi %add3A_74, %mul3A_43 : i32
        %get3A_76 = arith.index_cast %add3A_75 : i32 to index
        %get3A_77 = tpu.vector_load %arg5[%get3A_76] {strides = array<i32>} : memref<16384xf32, #tpu.memory_space<vmem>>, vector<16xf32>,
        %add3A_78 = arith.addf %add3A_71, %get3A_77 : vector<16xf32>
        %swap3A_79 = arith.index_cast %add3A_75 : i32 to index
        %swap3A_80 = tpu.vector_load %arg5[%swap3A_79] {strides = array<i32>} : memref<16384xf32, #tpu.memory_space<vmem>>, vector<16xf32>,
        tpu.vector_store %arg5[%swap3A_79], %broadcast_in_dim3A_8 {strides = array<i32>} : memref<16384xf32, #tpu.memory_space<vmem>>, vector<16xf32>,
        %add3A_81 = arith.constant 6144 : i32
        %add3A_82 = arith.addi %add3A_81, %mul3A_43 : i32
        %get3A_83 = arith.index_cast %add3A_82 : i32 to index
        %get3A_84 = tpu.vector_load %arg5[%get3A_83] {strides = array<i32>} : memref<16384xf32, #tpu.memory_space<vmem>>, vector<16xf32>,
        %add3A_85 = arith.addf %add3A_78, %get3A_84 : vector<16xf32>
        %swap3A_86 = arith.index_cast %add3A_82 : i32 to index
        %swap3A_87 = tpu.vector_load %arg5[%swap3A_86] {strides = array<i32>} : memref<16384xf32, #tpu.memory_space<vmem>>, vector<16xf32>,
        tpu.vector_store %arg5[%swap3A_86], %broadcast_in_dim3A_8 {strides = array<i32>} : memref<16384xf32, #tpu.memory_space<vmem>>, vector<16xf32>,
        %add3A_88 = arith.constant 7168 : i32
        %add3A_89 = arith.addi %add3A_88, %mul3A_43 : i32
        %get3A_90 = arith.index_cast %add3A_89 : i32 to index
        %get3A_91 = tpu.vector_load %arg5[%get3A_90] {strides = array<i32>} : memref<16384xf32, #tpu.memory_space<vmem>>, vector<16xf32>,
        %add3A_92 = arith.addf %add3A_85, %get3A_91 : vector<16xf32>
        %swap3A_93 = arith.index_cast %add3A_89 : i32 to index
        %swap3A_94 = tpu.vector_load %arg5[%swap3A_93] {strides = array<i32>} : memref<16384xf32, #tpu.memory_space<vmem>>, vector<16xf32>,
        tpu.vector_store %arg5[%swap3A_93], %broadcast_in_dim3A_8 {strides = array<i32>} : memref<16384xf32, #tpu.memory_space<vmem>>, vector<16xf32>,
        %add3A_95 = arith.constant 8192 : i32
        %add3A_96 = arith.addi %add3A_95, %mul3A_43 : i32
        %get3A_97 = arith.index_cast %add3A_96 : i32 to index
        %get3A_98 = tpu.vector_load %arg5[%get3A_97] {strides = array<i32>} : memref<16384xf32, #tpu.memory_space<vmem>>, vector<16xf32>,
        %add3A_99 = arith.addf %add3A_92, %get3A_98 : vector<16xf32>
        %swap3A_100 = arith.index_cast %add3A_96 : i32 to index
        %swap3A_101 = tpu.vector_load %arg5[%swap3A_100] {strides = array<i32>} : memref<16384xf32, #tpu.memory_space<vmem>>, vector<16xf32>,
        tpu.vector_store %arg5[%swap3A_100], %broadcast_in_dim3A_8 {strides = array<i32>} : memref<16384xf32, #tpu.memory_space<vmem>>, vector<16xf32>,
        %add3A_102 = arith.constant 9216 : i32
        %add3A_103 = arith.addi %add3A_102, %mul3A_43 : i32
        %get3A_104 = arith.index_cast %add3A_103 : i32 to index
        %get3A_105 = tpu.vector_load %arg5[%get3A_104] {strides = array<i32>} : memref<16384xf32, #tpu.memory_space<vmem>>, vector<16xf32>,
        %add3A_106 = arith.addf %add3A_99, %get3A_105 : vector<16xf32>
        %swap3A_107 = arith.index_cast %add3A_103 : i32 to index
        %swap3A_108 = tpu.vector_load %arg5[%swap3A_107] {strides = array<i32>} : memref<16384xf32, #tpu.memory_space<vmem>>, vector<16xf32>,
        tpu.vector_store %arg5[%swap3A_107], %broadcast_in_dim3A_8 {strides = array<i32>} : memref<16384xf32, #tpu.memory_space<vmem>>, vector<16xf32>,
        %add3A_109 = arith.constant 10240 : i32
        %add3A_110 = arith.addi %add3A_109, %mul3A_43 : i32
        %get3A_111 = arith.index_cast %add3A_110 : i32 to index
        %get3A_112 = tpu.vector_load %arg5[%get3A_111] {strides = array<i32>} : memref<16384xf32, #tpu.memory_space<vmem>>, vector<16xf32>,
        %add3A_113 = arith.addf %add3A_106, %get3A_112 : vector<16xf32>
        %swap3A_114 = arith.index_cast %add3A_110 : i32 to index
        %swap3A_115 = tpu.vector_load %arg5[%swap3A_114] {strides = array<i32>} : memref<16384xf32, #tpu.memory_space<vmem>>, vector<16xf32>,
        tpu.vector_store %arg5[%swap3A_114], %broadcast_in_dim3A_8 {strides = array<i32>} : memref<16384xf32, #tpu.memory_space<vmem>>, vector<16xf32>,
        %add3A_116 = arith.constant 11264 : i32
        %add3A_117 = arith.addi %add3A_116, %mul3A_43 : i32
        %get3A_118 = arith.index_cast %add3A_117 : i32 to index
        %get3A_119 = tpu.vector_load %arg5[%get3A_118] {strides = array<i32>} : memref<16384xf32, #tpu.memory_space<vmem>>, vector<16xf32>,
        %add3A_120 = arith.addf %add3A_113, %get3A_119 : vector<16xf32>
        %swap3A_121 = arith.index_cast %add3A_117 : i32 to index
        %swap3A_122 = tpu.vector_load %arg5[%swap3A_121] {strides = array<i32>} : memref<16384xf32, #tpu.memory_space<vmem>>, vector<16xf32>,
        tpu.vector_store %arg5[%swap3A_121], %broadcast_in_dim3A_8 {strides = array<i32>} : memref<16384xf32, #tpu.memory_space<vmem>>, vector<16xf32>,
        %add3A_123 = arith.constant 12288 : i32
        %add3A_124 = arith.addi %add3A_123, %mul3A_43 : i32
        %get3A_125 = arith.index_cast %add3A_124 : i32 to index
        %get3A_126 = tpu.vector_load %arg5[%get3A_125] {strides = array<i32>} : memref<16384xf32, #tpu.memory_space<vmem>>, vector<16xf32>,
        %add3A_127 = arith.addf %add3A_120, %get3A_126 : vector<16xf32>
        %swap3A_128 = arith.index_cast %add3A_124 : i32 to index
        %swap3A_129 = tpu.vector_load %arg5[%swap3A_128] {strides = array<i32>} : memref<16384xf32, #tpu.memory_space<vmem>>, vector<16xf32>,
        tpu.vector_store %arg5[%swap3A_128], %broadcast_in_dim3A_8 {strides = array<i32>} : memref<16384xf32, #tpu.memory_space<vmem>>, vector<16xf32>,
        %add3A_130 = arith.constant 13312 : i32
        %add3A_131 = arith.addi %add3A_130, %mul3A_43 : i32
        %get3A_132 = arith.index_cast %add3A_131 : i32 to index
        %get3A_133 = tpu.vector_load %arg5[%get3A_132] {strides = array<i32>} : memref<16384xf32, #tpu.memory_space<vmem>>, vector<16xf32>,
        %add3A_134 = arith.addf %add3A_127, %get3A_133 : vector<16xf32>
        %swap3A_135 = arith.index_cast %add3A_131 : i32 to index
        %swap3A_136 = tpu.vector_load %arg5[%swap3A_135] {strides = array<i32>} : memref<16384xf32, #tpu.memory_space<vmem>>, vector<16xf32>,
        tpu.vector_store %arg5[%swap3A_135], %broadcast_in_dim3A_8 {strides = array<i32>} : memref<16384xf32, #tpu.memory_space<vmem>>, vector<16xf32>,
        %add3A_137 = arith.constant 14336 : i32
        %add3A_138 = arith.addi %add3A_137, %mul3A_43 : i32
        %get3A_139 = arith.index_cast %add3A_138 : i32 to index
        %get3A_140 = tpu.vector_load %arg5[%get3A_139] {strides = array<i32>} : memref<16384xf32, #tpu.memory_space<vmem>>, vector<16xf32>,
        %add3A_141 = arith.addf %add3A_134, %get3A_140 : vector<16xf32>
        %swap3A_142 = arith.index_cast %add3A_138 : i32 to index
        %swap3A_143 = tpu.vector_load %arg5[%swap3A_142] {strides = array<i32>} : memref<16384xf32, #tpu.memory_space<vmem>>, vector<16xf32>,
        tpu.vector_store %arg5[%swap3A_142], %broadcast_in_dim3A_8 {strides = array<i32>} : memref<16384xf32, #tpu.memory_space<vmem>>, vector<16xf32>,
        %add3A_144 = arith.constant 15360 : i32
        %add3A_145 = arith.addi %add3A_144, %mul3A_43 : i32
        %get3A_146 = arith.index_cast %add3A_145 : i32 to index
        %get3A_147 = tpu.vector_load %arg5[%get3A_146] {strides = array<i32>} : memref<16384xf32, #tpu.memory_space<vmem>>, vector<16xf32>,
        %add3A_148 = arith.addf %add3A_141, %get3A_147 : vector<16xf32>
        %swap3A_149 = arith.index_cast %add3A_145 : i32 to index
        %swap3A_150 = tpu.vector_load %arg5[%swap3A_149] {strides = array<i32>} : memref<16384xf32, #tpu.memory_space<vmem>>, vector<16xf32>,
        tpu.vector_store %arg5[%swap3A_149], %broadcast_in_dim3A_8 {strides = array<i32>} : memref<16384xf32, #tpu.memory_space<vmem>>, vector<16xf32>,
        %swap3A_151 = arith.index_cast %mul3A_43 : i32 to index
        %swap3A_152 = tpu.vector_load %arg6[%swap3A_151] {strides = array<i32>} : memref<1024xf32, #tpu.memory_space<vmem>>, vector<16xf32>,
        tpu.vector_store %arg6[%swap3A_151], %add3A_148 {strides = array<i32>} : memref<1024xf32, #tpu.memory_space<vmem>>, vector<16xf32>,
        %scan3A_153 = arith.constant 0 : i32
        scf.yield %scan3A_153 : i32
      }
      %scan3A_38 = arith.constant 64 : i32
      "tpu.region"() ({
        %run_scoped3A = tpu.sem_alloc : memref<!tpu.dma_semaphore, #tpu.memory_space<semaphore_mem>>
        %dma_start3A = arith.constant 0 : i32
        %dma_start3A_40 = tpu.memref_slice %arg3[%add3A_24, %dma_start3A] : memref<256x1024xf32, #tpu.memory_space<hbm>> -> memref<1x1024xf32, #tpu.memory_space<hbm>>
        %dma_start3A_41 = tpu.memref_squeeze %dma_start3A_40 : memref<1x1024xf32, #tpu.memory_space<hbm>> -> memref<1024xf32, #tpu.memory_space<hbm>>
        %dma_start3A_42 = arith.constant 0 : i32
        %dma_start3A_43 = tpu.memref_slice %arg3[%add3A_24, %dma_start3A_42] : memref<256x1024xf32, #tpu.memory_space<hbm>> -> memref<1x1024xf32, #tpu.memory_space<hbm>>
        %dma_start3A_44 = tpu.memref_squeeze %dma_start3A_43 : memref<1x1024xf32, #tpu.memory_space<hbm>> -> memref<1024xf32, #tpu.memory_space<hbm>>
        tpu.enqueue_dma source(%arg6 : memref<1024xf32, #tpu.memory_space<vmem>>) target(%dma_start3A_44 : memref<1024xf32, #tpu.memory_space<hbm>>) target_semaphore(%run_scoped3A : memref<!tpu.dma_semaphore, #tpu.memory_space<semaphore_mem>>)
        %dma_wait3A = arith.constant 0 : i32
        %dma_wait3A_45 = tpu.memref_slice %arg3[%add3A_24, %dma_wait3A] : memref<256x1024xf32, #tpu.memory_space<hbm>> -> memref<1x1024xf32, #tpu.memory_space<hbm>>
        %dma_wait3A_46 = tpu.memref_squeeze %dma_wait3A_45 : memref<1x1024xf32, #tpu.memory_space<hbm>> -> memref<1024xf32, #tpu.memory_space<hbm>>
        %dma_wait3A_47 = arith.constant 0 : i32
        %dma_wait3A_48 = tpu.memref_slice %arg3[%add3A_24, %dma_wait3A_47] : memref<256x1024xf32, #tpu.memory_space<hbm>> -> memref<1x1024xf32, #tpu.memory_space<hbm>>
        %dma_wait3A_49 = tpu.memref_squeeze %dma_wait3A_48 : memref<1x1024xf32, #tpu.memory_space<hbm>> -> memref<1024xf32, #tpu.memory_space<hbm>>
        tpu.wait_dma2 semaphore(%run_scoped3A : memref<!tpu.dma_semaphore, #tpu.memory_space<semaphore_mem>>) src(%arg6 : memref<1024xf32, #tpu.memory_space<vmem>>) dst(%dma_wait3A_49 : memref<1024xf32, #tpu.memory_space<hbm>>)
        tpu.yield
      }) : () -> ()
      %scan3A_39 = arith.constant 0 : i32
      scf.yield %scan3A_39 : i32
    }
    %scan3A_21 = arith.constant 8 : i32
    return
  }
}

module attributes {stable_mosaic.version = 14 : i64} {
  func.func @_ori_body(%arg0: i32, %arg1: memref<8x2xi32, #tpu.memory_space<smem>>, %arg2: memref<1x1xf32, #tpu.memory_space<smem>>, %arg3: memref<1x32x576xf32, #tpu.memory_space<vmem>>, %arg4: memref<1152x576xf32, #tpu.memory_space<vmem>>, %arg5: memref<1x32x1xf32, #tpu.memory_space<vmem>>, %arg6: memref<1x32x1xf32, #tpu.memory_space<vmem>>, %arg7: memref<1x32x512xf32, #tpu.memory_space<vmem>>) attributes {dimension_semantics = [#tpu.dimension_semantics<arbitrary>], iteration_bounds = array<i64: 8>, scalar_prefetch = 0 : i64, scratch_operands = 0 : i64, tpu.core_type = #tpu.core_type<tc>, window_params = [{transform_indices = @transform_0, window_bounds = array<i64: 8, 2>}, {transform_indices = @transform_1, window_bounds = array<i64: 1, 1>}, {transform_indices = @transform_2, window_bounds = array<i64: 1, 32, 576>}, {transform_indices = @transform_3, window_bounds = array<i64: 1152, 576>}, {transform_indices = @transform_4, window_bounds = array<i64: 1, 32, 1>}, {transform_indices = @transform_5, window_bounds = array<i64: 1, 32, 1>}, {transform_indices = @transform_6, window_bounds = array<i64: 1, 32, 512>}]} {
    %get3A = arith.constant 0 : index
    %get3A_0 = arith.constant 0 : index
    %get3A_1 = memref.load %arg2[%get3A, %get3A_0] : memref<1x1xf32, #tpu.memory_space<smem>>
    %get3A_2 = arith.constant 0 : index
    %get3A_3 = arith.constant 0 : index
    %get3A_4 = arith.constant 0 : index
    %get3A_5 = vector.load %arg3[%get3A_2, %get3A_3, %get3A_4] : memref<1x32x576xf32, #tpu.memory_space<vmem>>, vector<1x32x576xf32>
    %get3A_6 = vector.shape_cast %get3A_5 : vector<1x32x576xf32> to vector<32x576xf32>
    %get3A_7 = arith.constant 0 : index
    %get3A_8 = arith.constant 0 : index
    %get3A_9 = vector.load %arg4[%get3A_7, %get3A_8] : memref<1152x576xf32, #tpu.memory_space<vmem>>, vector<1152x576xf32>
    %dot_general3A = arith.constant dense<0.000000e+00> : vector<32x1152xf32>
    %dot_general3A_10 = tpu.matmul %get3A_6, %get3A_9, %dot_general3A {dimension_numbers = #tpu.dot_dimension_numbers<[1], [1], [0], [0], [0, 0, 1, 0], [], []>, transpose_lhs_hint = false} : vector<32x576xf32>, vector<1152x576xf32>, vector<32x1152xf32> -> vector<32x1152xf32>
    %mul3A = vector.broadcast %get3A_1 : f32 to vector<32x1152xf32>
    %mul3A_11 = arith.mulf %dot_general3A_10, %mul3A : vector<32x1152xf32>
    %iota3A = tpu.iota {dimensions = array<i32: 1>} : vector<1x1152xi32>
    %add3A = arith.constant 2944 : i32
    %add3A_12 = vector.broadcast %add3A : i32 to vector<1x1152xi32>
    %add3A_13 = arith.addi %iota3A, %add3A_12 : vector<1x1152xi32>
    %get3A_14 = arith.index_cast %arg0 : i32 to index
    %get3A_15 = arith.constant 0 : index
    %get3A_16 = memref.load %arg1[%get3A_14, %get3A_15] : memref<8x2xi32, #tpu.memory_space<smem>>
    %ge3A = vector.broadcast %get3A_16 : i32 to vector<1x1152xi32>
    %ge3A_17 = arith.cmpi sge, %add3A_13, %ge3A : vector<1x1152xi32>
    %get3A_18 = arith.index_cast %arg0 : i32 to index
    %get3A_19 = arith.constant 1 : index
    %get3A_20 = memref.load %arg1[%get3A_18, %get3A_19] : memref<8x2xi32, #tpu.memory_space<smem>>
    %le3A = vector.broadcast %get3A_20 : i32 to vector<1x1152xi32>
    %le3A_21 = arith.cmpi sle, %add3A_13, %le3A : vector<1x1152xi32>
    %and3A = arith.andi %ge3A_17, %le3A_21 : vector<1x1152xi1>
    %jit3A = arith.constant -1.000000e+30 : f32
    %broadcast_in_dim3A = vector.shape_cast %and3A : vector<1x1152xi1> to vector<1x1152xi1>
    %broadcast_in_dim3A_22 = vector.broadcast %broadcast_in_dim3A : vector<1x1152xi1> to vector<32x1152xi1>
    %broadcast_in_dim3A_23 = vector.broadcast %jit3A : f32 to vector<32x1152xf32>
    %select_n3A = arith.select %broadcast_in_dim3A_22, %mul3A_11, %broadcast_in_dim3A_23 : vector<32x1152xi1>, vector<32x1152xf32>
    %reduce_max3A = arith.constant dense<0xFF800000> : vector<32xf32>
    %reduce_max3A_24 = vector.multi_reduction <maximumf>, %select_n3A, %reduce_max3A [1] : vector<32x1152xf32> to vector<32xf32>
    %broadcast_in_dim3A_25 = vector.shape_cast %reduce_max3A_24 : vector<32xf32> to vector<32x1xf32>
    %sub3A = vector.broadcast %broadcast_in_dim3A_25 : vector<32x1xf32> to vector<32x1152xf32>
    %sub3A_26 = arith.subf %select_n3A, %sub3A : vector<32x1152xf32>
    %exp3A = math.exp %sub3A_26 : vector<32x1152xf32>
    %swap3A = arith.constant 0 : index
    %swap3A_27 = arith.constant 0 : index
    %swap3A_28 = arith.constant 0 : index
    %swap3A_29 = vector.load %arg5[%swap3A, %swap3A_27, %swap3A_28] : memref<1x32x1xf32, #tpu.memory_space<vmem>>, vector<1x32x1xf32>
    %swap3A_30 = vector.shape_cast %swap3A_29 : vector<1x32x1xf32> to vector<32x1xf32>
    %swap3A_31 = vector.shape_cast %broadcast_in_dim3A_25 : vector<32x1xf32> to vector<1x32x1xf32>
    tpu.vector_store %arg5[%swap3A, %swap3A_27, %swap3A_28], %swap3A_31 {strides = array<i32>} : memref<1x32x1xf32, #tpu.memory_space<vmem>>, vector<1x32x1xf32>,
    %reduce_sum3A = arith.constant dense<0.000000e+00> : vector<32xf32>
    %reduce_sum3A_32 = vector.multi_reduction <add>, %exp3A, %reduce_sum3A [1] : vector<32x1152xf32> to vector<32xf32>
    %broadcast_in_dim3A_33 = vector.shape_cast %reduce_sum3A_32 : vector<32xf32> to vector<32x1xf32>
    %swap3A_34 = arith.constant 0 : index
    %swap3A_35 = arith.constant 0 : index
    %swap3A_36 = arith.constant 0 : index
    %swap3A_37 = vector.load %arg6[%swap3A_34, %swap3A_35, %swap3A_36] : memref<1x32x1xf32, #tpu.memory_space<vmem>>, vector<1x32x1xf32>
    %swap3A_38 = vector.shape_cast %swap3A_37 : vector<1x32x1xf32> to vector<32x1xf32>
    %swap3A_39 = vector.shape_cast %broadcast_in_dim3A_33 : vector<32x1xf32> to vector<1x32x1xf32>
    tpu.vector_store %arg6[%swap3A_34, %swap3A_35, %swap3A_36], %swap3A_39 {strides = array<i32>} : memref<1x32x1xf32, #tpu.memory_space<vmem>>, vector<1x32x1xf32>,
    %get3A_40 = arith.constant 0 : index
    %get3A_41 = arith.constant 0 : index
    %get3A_42 = vector.load %arg4[%get3A_40, %get3A_41] : memref<1152x576xf32, #tpu.memory_space<vmem>>, vector<1152x512xf32>
    %dot_general3A_43 = arith.constant dense<0.000000e+00> : vector<32x512xf32>
    %dot_general3A_44 = tpu.matmul %exp3A, %get3A_42, %dot_general3A_43 {dimension_numbers = #tpu.dot_dimension_numbers<[1], [0], [0], [1], [0, 0, 1, 1], [], []>, transpose_lhs_hint = false} : vector<32x1152xf32>, vector<1152x512xf32>, vector<32x512xf32> -> vector<32x512xf32>
    %swap3A_45 = arith.constant 0 : index
    %swap3A_46 = arith.constant 0 : index
    %swap3A_47 = arith.constant 0 : index
    %swap3A_48 = vector.load %arg7[%swap3A_45, %swap3A_46, %swap3A_47] : memref<1x32x512xf32, #tpu.memory_space<vmem>>, vector<1x32x512xf32>
    %swap3A_49 = vector.shape_cast %swap3A_48 : vector<1x32x512xf32> to vector<32x512xf32>
    %swap3A_50 = vector.shape_cast %dot_general3A_44 : vector<32x512xf32> to vector<1x32x512xf32>
    tpu.vector_store %arg7[%swap3A_45, %swap3A_46, %swap3A_47], %swap3A_50 {strides = array<i32>} : memref<1x32x512xf32, #tpu.memory_space<vmem>>, vector<1x32x512xf32>,
    return
  }
  func.func @transform_0(%arg0: i32) -> (i32, i32) {
    %c0_i32 = arith.constant 0 : i32
    %c0_i32_0 = arith.constant 0 : i32
    %c0_i32_1 = arith.constant 0 : i32
    return %c0_i32, %c0_i32_0 : i32, i32
  }
  func.func @transform_1(%arg0: i32) -> (i32, i32) {
    %c0_i32 = arith.constant 0 : i32
    %c0_i32_0 = arith.constant 0 : i32
    %c0_i32_1 = arith.constant 0 : i32
    return %c0_i32, %c0_i32_0 : i32, i32
  }
  func.func @transform_2(%arg0: i32) -> (i32, i32, i32) {
    %c0_i32 = arith.constant 0 : i32
    %c0_i32_0 = arith.constant 0 : i32
    %c0_i32_1 = arith.constant 0 : i32
    return %arg0, %c0_i32, %c0_i32_0 : i32, i32, i32
  }
  func.func @transform_3(%arg0: i32) -> (i32, i32) {
    %c0_i32 = arith.constant 0 : i32
    %c0_i32_0 = arith.constant 0 : i32
    return %arg0, %c0_i32 : i32, i32
  }
  func.func @transform_4(%arg0: i32) -> (i32, i32, i32) {
    %c0_i32 = arith.constant 0 : i32
    %c0_i32_0 = arith.constant 0 : i32
    %c0_i32_1 = arith.constant 0 : i32
    return %arg0, %c0_i32, %c0_i32_0 : i32, i32, i32
  }
  func.func @transform_5(%arg0: i32) -> (i32, i32, i32) {
    %c0_i32 = arith.constant 0 : i32
    %c0_i32_0 = arith.constant 0 : i32
    %c0_i32_1 = arith.constant 0 : i32
    return %arg0, %c0_i32, %c0_i32_0 : i32, i32, i32
  }
  func.func @transform_6(%arg0: i32) -> (i32, i32, i32) {
    %c0_i32 = arith.constant 0 : i32
    %c0_i32_0 = arith.constant 0 : i32
    %c0_i32_1 = arith.constant 0 : i32
    return %arg0, %c0_i32, %c0_i32_0 : i32, i32, i32
  }
}

module attributes {stable_mosaic.version = 14 : i64} {
  func.func @_cmp_body(%arg0: i32, %arg1: memref<1x1xf32, #tpu.memory_space<smem>>, %arg2: memref<1x32x576xf32, #tpu.memory_space<vmem>>, %arg3: memref<1024x576xf32, #tpu.memory_space<vmem>>, %arg4: memref<32x1024xf32, #tpu.memory_space<vmem>>, %arg5: memref<32x128xf32, #tpu.memory_space<vmem>>, %arg6: memref<1x32x1xf32, #tpu.memory_space<vmem>>, %arg7: memref<1x32x1xf32, #tpu.memory_space<vmem>>, %arg8: memref<1x32x512xf32, #tpu.memory_space<vmem>>, %arg9: memref<1x32x512xf32, #tpu.memory_space<vmem>>) attributes {dimension_semantics = [#tpu.dimension_semantics<arbitrary>], iteration_bounds = array<i64: 8>, scalar_prefetch = 0 : i64, scratch_operands = 0 : i64, tpu.core_type = #tpu.core_type<tc>, window_params = [{transform_indices = @transform_0, window_bounds = array<i64: 1, 1>}, {transform_indices = @transform_1, window_bounds = array<i64: 1, 32, 576>}, {transform_indices = @transform_2, window_bounds = array<i64: 1024, 576>}, {transform_indices = @transform_3, window_bounds = array<i64: 32, 1024>}, {pipeline_mode = #tpu.pipeline_mode<synchronous>, transform_indices = @transform_4, window_bounds = array<i64: 32, 128>}, {transform_indices = @transform_5, window_bounds = array<i64: 1, 32, 1>}, {transform_indices = @transform_6, window_bounds = array<i64: 1, 32, 1>}, {transform_indices = @transform_7, window_bounds = array<i64: 1, 32, 512>}, {transform_indices = @transform_8, window_bounds = array<i64: 1, 32, 512>}]} {
    %get3A = arith.constant 0 : index
    %get3A_0 = arith.constant 0 : index
    %get3A_1 = memref.load %arg1[%get3A, %get3A_0] : memref<1x1xf32, #tpu.memory_space<smem>>
    %get3A_2 = arith.constant 0 : index
    %get3A_3 = arith.constant 0 : index
    %get3A_4 = arith.constant 0 : index
    %get3A_5 = vector.load %arg2[%get3A_2, %get3A_3, %get3A_4] : memref<1x32x576xf32, #tpu.memory_space<vmem>>, vector<1x32x576xf32>
    %get3A_6 = vector.shape_cast %get3A_5 : vector<1x32x576xf32> to vector<32x576xf32>
    %get3A_7 = arith.constant 0 : index
    %get3A_8 = arith.constant 0 : index
    %get3A_9 = vector.load %arg4[%get3A_7, %get3A_8] : memref<32x1024xf32, #tpu.memory_space<vmem>>, vector<32x1024xf32>
    %get3A_10 = arith.constant 0 : index
    %get3A_11 = arith.constant 0 : index
    %get3A_12 = vector.load %arg5[%get3A_10, %get3A_11] : memref<32x128xf32, #tpu.memory_space<vmem>>, vector<32x1xf32>
    %get3A_13 = arith.constant 0 : index
    %get3A_14 = arith.constant 0 : index
    %get3A_15 = arith.constant 0 : index
    %get3A_16 = vector.load %arg6[%get3A_13, %get3A_14, %get3A_15] : memref<1x32x1xf32, #tpu.memory_space<vmem>>, vector<1x32x1xf32>
    %get3A_17 = vector.shape_cast %get3A_16 : vector<1x32x1xf32> to vector<32x1xf32>
    %get3A_18 = arith.constant 0 : index
    %get3A_19 = arith.constant 0 : index
    %get3A_20 = arith.constant 0 : index
    %get3A_21 = vector.load %arg7[%get3A_18, %get3A_19, %get3A_20] : memref<1x32x1xf32, #tpu.memory_space<vmem>>, vector<1x32x1xf32>
    %get3A_22 = vector.shape_cast %get3A_21 : vector<1x32x1xf32> to vector<32x1xf32>
    %get3A_23 = arith.constant 0 : index
    %get3A_24 = arith.constant 0 : index
    %get3A_25 = arith.constant 0 : index
    %get3A_26 = vector.load %arg8[%get3A_23, %get3A_24, %get3A_25] : memref<1x32x512xf32, #tpu.memory_space<vmem>>, vector<1x32x512xf32>
    %get3A_27 = vector.shape_cast %get3A_26 : vector<1x32x512xf32> to vector<32x512xf32>
    %get3A_28 = arith.constant 0 : index
    %get3A_29 = arith.constant 0 : index
    %get3A_30 = vector.load %arg3[%get3A_28, %get3A_29] : memref<1024x576xf32, #tpu.memory_space<vmem>>, vector<1024x576xf32>
    %dot_general3A = arith.constant dense<0.000000e+00> : vector<32x1024xf32>
    %dot_general3A_31 = tpu.matmul %get3A_6, %get3A_30, %dot_general3A {dimension_numbers = #tpu.dot_dimension_numbers<[1], [1], [0], [0], [0, 0, 1, 0], [], []>, transpose_lhs_hint = false} : vector<32x576xf32>, vector<1024x576xf32>, vector<32x1024xf32> -> vector<32x1024xf32>
    %mul3A = vector.broadcast %get3A_1 : f32 to vector<32x1024xf32>
    %mul3A_32 = arith.mulf %dot_general3A_31, %mul3A : vector<32x1024xf32>
    %gt3A = arith.constant 0.000000e+00 : f32
    %gt3A_33 = vector.broadcast %gt3A : f32 to vector<32x1024xf32>
    %gt3A_34 = arith.cmpf ogt, %get3A_9, %gt3A_33 : vector<32x1024xf32>
    %jit3A = arith.constant -1.000000e+30 : f32
    %broadcast_in_dim3A = vector.broadcast %jit3A : f32 to vector<32x1024xf32>
    %select_n3A = arith.select %gt3A_34, %mul3A_32, %broadcast_in_dim3A : vector<32x1024xi1>, vector<32x1024xf32>
    %reduce_max3A = arith.constant dense<0xFF800000> : vector<32xf32>
    %reduce_max3A_35 = vector.multi_reduction <maximumf>, %select_n3A, %reduce_max3A [1] : vector<32x1024xf32> to vector<32xf32>
    %broadcast_in_dim3A_36 = vector.shape_cast %reduce_max3A_35 : vector<32xf32> to vector<32x1xf32>
    %max3A = arith.maximumf %broadcast_in_dim3A_36, %get3A_17 : vector<32x1xf32>
    %max3A_37 = arith.maximumf %max3A, %get3A_12 : vector<32x1xf32>
    %sub3A = arith.subf %get3A_17, %max3A_37 : vector<32x1xf32>
    %exp3A = math.exp %sub3A : vector<32x1xf32>
    %sub3A_38 = vector.broadcast %max3A_37 : vector<32x1xf32> to vector<32x1024xf32>
    %sub3A_39 = arith.subf %select_n3A, %sub3A_38 : vector<32x1024xf32>
    %exp3A_40 = math.exp %sub3A_39 : vector<32x1024xf32>
    %mul3A_41 = arith.mulf %get3A_9, %exp3A_40 : vector<32x1024xf32>
    %mul3A_42 = arith.mulf %get3A_22, %exp3A : vector<32x1xf32>
    %reduce_sum3A = arith.constant dense<0.000000e+00> : vector<32xf32>
    %reduce_sum3A_43 = vector.multi_reduction <add>, %mul3A_41, %reduce_sum3A [1] : vector<32x1024xf32> to vector<32xf32>
    %broadcast_in_dim3A_44 = vector.shape_cast %reduce_sum3A_43 : vector<32xf32> to vector<32x1xf32>
    %add3A = arith.addf %mul3A_42, %broadcast_in_dim3A_44 : vector<32x1xf32>
    %sub3A_45 = arith.subf %get3A_12, %max3A_37 : vector<32x1xf32>
    %exp3A_46 = math.exp %sub3A_45 : vector<32x1xf32>
    %add3A_47 = arith.addf %add3A, %exp3A_46 : vector<32x1xf32>
    %mul3A_48 = vector.broadcast %exp3A : vector<32x1xf32> to vector<32x512xf32>
    %mul3A_49 = arith.mulf %get3A_27, %mul3A_48 : vector<32x512xf32>
    %get3A_50 = arith.constant 0 : index
    %get3A_51 = arith.constant 0 : index
    %get3A_52 = vector.load %arg3[%get3A_50, %get3A_51] : memref<1024x576xf32, #tpu.memory_space<vmem>>, vector<1024x512xf32>
    %dot_general3A_53 = arith.constant dense<0.000000e+00> : vector<32x512xf32>
    %dot_general3A_54 = tpu.matmul %mul3A_41, %get3A_52, %dot_general3A_53 {dimension_numbers = #tpu.dot_dimension_numbers<[1], [0], [0], [1], [0, 0, 1, 1], [], []>, transpose_lhs_hint = false} : vector<32x1024xf32>, vector<1024x512xf32>, vector<32x512xf32> -> vector<32x512xf32>
    %add3A_55 = arith.addf %mul3A_49, %dot_general3A_54 : vector<32x512xf32>
    %div3A = vector.broadcast %add3A_47 : vector<32x1xf32> to vector<32x512xf32>
    %div3A_56 = arith.divf %add3A_55, %div3A : vector<32x512xf32>
    %swap3A = arith.constant 0 : index
    %swap3A_57 = arith.constant 0 : index
    %swap3A_58 = arith.constant 0 : index
    %swap3A_59 = vector.load %arg9[%swap3A, %swap3A_57, %swap3A_58] : memref<1x32x512xf32, #tpu.memory_space<vmem>>, vector<1x32x512xf32>
    %swap3A_60 = vector.shape_cast %swap3A_59 : vector<1x32x512xf32> to vector<32x512xf32>
    %swap3A_61 = vector.shape_cast %div3A_56 : vector<32x512xf32> to vector<1x32x512xf32>
    tpu.vector_store %arg9[%swap3A, %swap3A_57, %swap3A_58], %swap3A_61 {strides = array<i32>} : memref<1x32x512xf32, #tpu.memory_space<vmem>>, vector<1x32x512xf32>,
    return
  }
  func.func @transform_0(%arg0: i32) -> (i32, i32) {
    %c0_i32 = arith.constant 0 : i32
    %c0_i32_0 = arith.constant 0 : i32
    %c0_i32_1 = arith.constant 0 : i32
    return %c0_i32, %c0_i32_0 : i32, i32
  }
  func.func @transform_1(%arg0: i32) -> (i32, i32, i32) {
    %c0_i32 = arith.constant 0 : i32
    %c0_i32_0 = arith.constant 0 : i32
    %c0_i32_1 = arith.constant 0 : i32
    return %arg0, %c0_i32, %c0_i32_0 : i32, i32, i32
  }
  func.func @transform_2(%arg0: i32) -> (i32, i32) {
    %c0_i32 = arith.constant 0 : i32
    %c0_i32_0 = arith.constant 0 : i32
    return %arg0, %c0_i32 : i32, i32
  }
  func.func @transform_3(%arg0: i32) -> (i32, i32) {
    %c0_i32 = arith.constant 0 : i32
    %c0_i32_0 = arith.constant 0 : i32
    return %arg0, %c0_i32 : i32, i32
  }
  func.func @transform_4(%arg0: i32) -> (i32, i32) {
    %c0_i32 = arith.constant 0 : i32
    %c0_i32_0 = arith.constant 0 : i32
    %c0_i32_1 = arith.constant 0 : i32
    return %c0_i32, %c0_i32_0 : i32, i32
  }
  func.func @transform_5(%arg0: i32) -> (i32, i32, i32) {
    %c0_i32 = arith.constant 0 : i32
    %c0_i32_0 = arith.constant 0 : i32
    %c0_i32_1 = arith.constant 0 : i32
    return %arg0, %c0_i32, %c0_i32_0 : i32, i32, i32
  }
  func.func @transform_6(%arg0: i32) -> (i32, i32, i32) {
    %c0_i32 = arith.constant 0 : i32
    %c0_i32_0 = arith.constant 0 : i32
    %c0_i32_1 = arith.constant 0 : i32
    return %arg0, %c0_i32, %c0_i32_0 : i32, i32, i32
  }
  func.func @transform_7(%arg0: i32) -> (i32, i32, i32) {
    %c0_i32 = arith.constant 0 : i32
    %c0_i32_0 = arith.constant 0 : i32
    %c0_i32_1 = arith.constant 0 : i32
    return %arg0, %c0_i32, %c0_i32_0 : i32, i32, i32
  }
  func.func @transform_8(%arg0: i32) -> (i32, i32, i32) {
    %c0_i32 = arith.constant 0 : i32
    %c0_i32_0 = arith.constant 0 : i32
    %c0_i32_1 = arith.constant 0 : i32
    return %arg0, %c0_i32, %c0_i32_0 : i32, i32, i32
  }
}

</mosaic_0001>

<sc_bundles>
// kernel: kernel.5.cloned.1.call-start
scs
__scs_entry_jumppad:
0x0: {  	(pc) =	sbr.rel $0x88, $3  }
0x1: {  	(tag) =	ssettag $0x0;
	lr =	simm.s32 $0x1  }
0x2: {  	[smem:$0x3F98] =	sst lr;
	_ =	strace $0xD0000000  }
0x3: {  	_ = 	snop  }
0x4: {  	_ = 	snop  }
0x5: {  	_ = 	snop  }
0x6: {  	_ = 	snop  }
0x7: {  	_ = 	snop  }
__scs_overlays_trampoline_lowered:
0x8: {  	[smem:$0x3FA7] =	sst s0  }
0x9: {  	[smem:$0x3FA8] =	sst s1  }
0xa: {  	[smem:$0x3FA9] =	sst s2  }
0xb: {  	[smem:$0x3FAA] =	sst s3  }
0xc: {  	[smem:$0x3FAB] =	sst s4  }
0xd: {  	[smem:$0x3FAC] =	sst s5  }
0xe: {  	[smem:$0x3FAD] =	sst s6  }
0xf: {  	[smem:$0x3FAE] =	sst s7  }
0x10: {  	[smem:$0x3FAF] =	sst s8  }
0x11: {  	[smem:$0x3FB0] =	sst s9;
	s0 =	simm.s32 @!p0 $0x0  }
0x12: {  	s1 =	sld [smem:$0x3F96];
	s0 =	simm.s32 @p0 $0x1  }
0x13: {  	[smem:$0x3FB1] =	sst s0;
	s0 =	simm.s32 @!p1 $0x0  }
0x14: {  	s2 =	sld [smem:$0x3F95];
	s0 =	simm.s32 @p1 $0x1  }
0x15: {  	[smem:$0x3FB2] =	sst s0;
	s0 =	simm.s32 @!p2 $0x0  }
0x16: {  	s3 =	sld [smem:$0x3FDB];
	s0 =	simm.s32 @p2 $0x1  }
0x17: {  	s4 =	simm.s32 $0x1BF5;
	[smem:$0x3FB4] =	sst s0  }
0x18: {  	s0 =	sld [smem:$0x3F97];
	_ =	swait.ge [sflag:s4], $0x0  }
0x19: {  	s7 =	sld [smem:$0x3F98]  }
0x1a: {  	s8 =	sadd.s32 $0xFFFFE003, lr  }
0x1b: {  	s9 =	sadd.s32 $0xFFFFFEF7, lr;
	s5 =	simm.s32 $0xFFFFFFFF;
	p2 =	slt.u32 s8, $0xFFFFF086  }
0x1c: {  	p1 =	slt.u32 s9, $0xF7A;
	s5 =	simm.s32 @!p2 $0x0  }
0x1d: {  	s5 =	simm.s32 @p1 $0x1;
	p0 =	seq.s32 s7, s2  }
0x1e: {  	s7 =	smul.u32 @!p0 $0xF7A, s2;
	p2 =	seq.s32 @!p0 s5, $0x0  }
0x1f: {  	s9 =	smul.u32 $0xF7A, s1;
	s8 =	simm.s32 @!p0 $0x1BF5;
	p2 =	por !p2, p0  }
0x20: {  	[sflag:s8] =	ssyncset.s32 @!p0 $0xFFFFF086;
	s6 =	sadd.s32 @!p0 s3, s7;
	s7 =	simm.s32 @!p0 $0x108  }
0x21: {  	s3 =	sadd.s32 s3, s9;
	s6 =	sadd.s32 @!p0 $0x88, s6;
	s7 =	simm.s32 @p2 $0x1082  }
0x22: {  	[simem:s7], [sflag:s8] =	dma.local @!p0 [hbm:s6], $0xF7A  }
0x23: {  	s9 =	sor.u32 $0xD0000000, s2;
	s6 =	simm.s32 $0x108;
	_ =	swait.ge @!p0 [sflag:s8], $0x0  }
0x24: {  	s3 =	sadd.s32 $0x88, s3;
	s6 =	simm.s32 @!p1 $0x1082;
	[sflag:s4] =	ssyncset.s32 $0xFFFFF086  }
0x25: {  	[simem:s6], [sflag:s4] =	dma.local [hbm:s3], $0xF7A  }
0x26: {  	[smem:$0x3F98] =	sst s1;
	(tag) =	ssettag s2;
	_ =	strace s9  }
0x27: {  	s1 =	sld [smem:$0x3FA8]  }
0x28: {  	s2 =	sld [smem:$0x3FA9]  }
0x29: {  	s4 =	sld [smem:$0x3FAB]  }
0x2a: {  	p0 =	seq.s32 s5, $0x0;
	s5 =	sld [smem:$0x3FAC]  }
0x2b: {  	s6 =	sld [smem:$0x3FAD]  }
0x2c: {  	s7 =	sld [smem:$0x3FAE]  }
0x2d: {  	s3 =	simm.s32 $0x108;
	s8 =	sld [smem:$0x3FAF]  }
0x2e: {  	s3 =	simm.s32 @!p0 $0x1082;
	s9 =	sld [smem:$0x3FB0]  }
0x2f: {  	lr =	sadd.s32 s0, s3;
	s0 =	sld [smem:$0x3FA7]  }
0x30: {  	s3 =	sld [smem:$0x3FAA]  }
0x31: {  	[smem:$0x3FB3] =	sst s10  }
0x32: {  	s10 =	sld [smem:$0x3FB1];
	_ =	sdelay $0x3  }
0x33: {  	p0 =	seq.s32 s10, $0x1;
	s10 =	sld [smem:$0x3FB3];
	_ =	sdelay $0x3  }
0x34: {  	[smem:$0x3FB3] =	sst s10  }
0x35: {  	s10 =	sld [smem:$0x3FB2];
	_ =	sdelay $0x3  }
0x36: {  	p1 =	seq.s32 s10, $0x1;
	s10 =	sld [smem:$0x3FB3];
	_ =	sdelay $0x3  }
0x37: {  	[smem:$0x3FB3] =	sst s10  }
0x38: {  	s10 =	sld [smem:$0x3FB4]  }
0x39: {  	_ = 	snop;
	(pc) =	sbr.ind lr, $3  }
0x3a: {  	_ = 	snop  }
0x3b: {  	_ = 	snop  }
0x3c: {  	p2 =	seq.s32 s10, $0x1;
	s10 =	sld [smem:$0x3FB3]  }
0x3d: {  	_ =	shalt  }
0x3e: {  	_ =	shalt  }
0x3f: {  	_ =	shalt  }
0x40: {  	_ =	shalt  }
0x41: {  	_ =	shalt  }
0x42: {  	_ =	shalt  }
0x43: {  	_ =	shalt  }
0x44: {  	_ =	shalt  }
0x45: {  	_ =	shalt  }
0x46: {  	_ =	shalt  }
0x47: {  	_ =	shalt  }
0x48: {  	_ =	shalt  }
0x49: {  	_ =	shalt  }
0x4a: {  	_ =	shalt  }
0x4b: {  	_ =	shalt  }
0x4c: {  	_ =	shalt  }
0x4d: {  	_ =	shalt  }
0x4e: {  	_ =	shalt  }
0x4f: {  	_ =	shalt  }
0x50: {  	_ =	shalt  }
0x51: {  	_ =	shalt  }
0x52: {  	_ =	shalt  }
0x53: {  	_ =	shalt  }
0x54: {  	_ =	shalt  }
0x55: {  	_ =	shalt  }
0x56: {  	_ =	shalt  }
0x57: {  	_ =	shalt  }
0x58: {  	_ =	shalt  }
0x59: {  	_ =	shalt  }
0x5a: {  	_ =	shalt  }
0x5b: {  	_ =	shalt  }
0x5c: {  	_ =	shalt  }
0x5d: {  	_ =	shalt  }
0x5e: {  	_ =	shalt  }
0x5f: {  	_ =	shalt  }
0x60: {  	_ =	shalt  }
0x61: {  	_ =	shalt  }
0x62: {  	_ =	shalt  }
0x63: {  	_ =	shalt  }
0x64: {  	_ =	shalt  }
0x65: {  	_ =	shalt  }
0x66: {  	_ =	shalt  }
0x67: {  	_ =	shalt  }
0x68: {  	_ =	shalt  }
0x69: {  	_ =	shalt  }
0x6a: {  	_ =	shalt  }
0x6b: {  	_ =	shalt  }
0x6c: {  	_ =	shalt  }
0x6d: {  	_ =	shalt  }
0x6e: {  	_ =	shalt  }
0x6f: {  	_ =	shalt  }
0x70: {  	_ =	shalt  }
0x71: {  	_ =	shalt  }
0x72: {  	_ =	shalt  }
0x73: {  	_ =	shalt  }
0x74: {  	_ =	shalt  }
0x75: {  	_ =	shalt  }
0x76: {  	_ =	shalt  }
0x77: {  	_ =	shalt  }
0x78: {  	_ =	shalt  }
0x79: {  	_ =	shalt  }
0x7a: {  	_ =	shalt  }
0x7b: {  	_ =	shalt  }
0x7c: {  	_ =	shalt  }
0x7d: {  	_ =	shalt  }
0x7e: {  	_ =	shalt  }
0x7f: {  	_ =	shalt  }
0x80: {  	_ =	shalt  }
0x81: {  	_ =	shalt  }
0x82: {  	_ =	shalt  }
0x83: {  	_ =	shalt  }
0x84: {  	_ =	shalt  }
0x85: {  	_ =	shalt  }
0x86: {  	_ =	shalt  }
0x87: {  	_ =	shalt  }
.Lfunc_end0:
.L_simem_size_0:
called_computation_lowered:
.L_overlay_start_0:
0x88: {  	s2 =	sld [smem:$0x3FD9]  }
0x89: {  	s3 =	sld [smem:$0x3FFE];
	_ =	sdelay $0x1  }
0x8a: {  	s1 =	srdreg.scid  }
0x8b: {  	s0 =	sand.u32 $0x1, s1  }
0x8c: {  	s17 =	sshll.u32 s0, $0xA;
	s2 =	sadd.s32 s3, s2  }
0x8d: {  	s2 =	sadd.s32 s2, s17  }
0x8e: {  	[smem:$0x3FBF] =	sst s2  }
0x8f: {  	_ = 	snop  }
0x90: {  	s2 =	sld [smem:$0x3FC6];
	(tm) =	ssettm $0x1  }
0x91: {  	s18 =	sld [smem:$0x3FFB];
	_ =	sdelay $0x3  }
0x92: {  	_ =	strace s18  }
0x93: {  	s3 =	sld [smem:$0x3FFC];
	_ =	sdelay $0x3  }
0x94: {  	_ =	strace s3  }
0x95: {  	s3 =	sld [smem:$0x3FFD];
	_ =	sdelay $0x3  }
0x96: {  	_ =	strace s3  }
0x97: {  	_ =	strace $0x8FFFFFFF  }
0x98: {  	s19 =	sld [smem:$0x3FDB];
	_ =	sdelay $0x1  }
0x99: {  	s4 =	simm.s32 $_scs_section_size  }
0x9a: {  	s5 =	simm.s32 $_size__tile_overlayer_lowered;
	s6 =	simm.s32 $_tile_overlayer_lowered  }
0x9b: {  	s22 =	simm.s32 $0x1BFF;
	s21 =	sshll.u32 s6, $0x1;
	s3 =	sadd.s32 s4, s19  }
0x9c: {  	s7 =	simm.s32 $0x0;
	s20 =	sshll.u32 s5, $0x1;
	s5 =	sadd.s32 s21, s3  }
0x9d: {  	[timem:s7], [sflag:s22] =	dma.local [hbm:s5], s20  }
0x9e: {  	_ =	swait.ge [sflag:s22], s20  }
0x9f: {  	s4 =	ssub.s32 $0x0, s20;
	[sflag:s22] =	ssyncset.done $0x0  }
0xa0: {  	[sflag:s22] =	ssyncadd.s32 s4;
	_ =	sdelay $0x1  }
0xa1: {  	s23 =	simm.s32 $0x1B8B  }
0xa2: {  	_ =	swait.ge [sflag:s23], $0x1  }
0xa3: {  	[sflag:s23] =	ssyncset.done $0x0  }
0xa4: {  	s25 =	simm.s32 $0x1B8E;
	s24 =	sld [smem:$0x3FFE];
	[sflag:s23] =	ssyncadd.s32 $0xFFFFFFFF  }
0xa5: {  	s26 =	simm.s32 $execute0_lowered;
	[smem:$0x3FD2] =	sst s25  }
0xa6: {  	s5 =	sshll.u32 s26, $0x1;
	_ =	strace $0x80000046;
	[dreg:$0x1] =	wrdreg $0xFFFFFFFF  }
0xa7: {  	s28 =	simm.s32 $_size_execute0_lowered;
	s3 =	sadd.s32 s3, s5;
	[dreg:$0x0] =	wrdreg $0x0  }
0xa8: {  	s5 =	sshll.u32 s28, $0x1;
	[dreg:$0x2] =	wrdreg s3  }
0xa9: {  	[dreg:$0x3] =	wrdreg s5  }
0xaa: {  	[dreg:$0x4] =	wrdreg $0xC0  }
0xab: {  	_ =	task [dreg:s7], $0x5FFFF  }
0xac: {  	[dreg:$0x1] =	wrdreg $0xFFFFFFFF  }
0xad: {  	[dreg:$0x0] =	wrdreg $0x60  }
0xae: {  	[dreg:$0x2] =	wrdreg s2  }
0xaf: {  	[dreg:$0x3] =	wrdreg s24  }
0xb0: {  	[dreg:$0x4] =	wrdreg $0x9  }
0xb1: {  	_ =	task.clear_ibuf [dreg:s7], $0x5FFFF;
	_ =	strace $0x90000046  }
0xb2: {  	s29 =	simm.s32 $0x9;
	_ =	strace $0x80000048  }
0xb3: {  	_ =	swait.ge [sflag:s29], $0x1  }
0xb4: {  	[sflag:s29] =	ssyncadd.s32 $0xFFFFFFFF  }
0xb5: {  	_ =	strace $0x90000048  }
0xb6: {  	_ =	sfence  }
0xb7: {  	s30 =	sld [smem:$0x0];
	_ =	sdelay $0x2  }
0xb8: {  	s31 =	sshll.u32 s1, $0xD;
	s1 =	sshrl.u32 s1, $0x2  }
0xb9: {  	s3 =	sand.u32 $0x4000, s31;
	s1 =	sadd.s32 s1, s30  }
0xba: {  	s0 =	sor.u32 s3, s0;
	s1 =	sshll.u32 s1, $0x11  }
0xbb: {  	s0 =	sor.u32 s1, s0  }
0xbc: {  	s0 =	sadd.s32 $0x8F2B, s0  }
0xbd: {  	[sflag:s0] =	ssyncadd.remote.s32 $0x1  }
0xbe: {  	_ =	sfence.sel $0xFFFF  }
0xbf: {  	[dreg:$0x0] =	wrdreg $0xFFFFFFFF;
	(pc) =	sbr.abs _section_cstart, $3  }
0xc0: {  	[dreg:$0x1] =	wrdreg $0xFFFFFFFF  }
0xc1: {  	_ =	task.clear_ibuf [dreg:s7], $0x2FFFF;
	_ =	strace $0x9FFFFFFF  }
0xc2: {  	(tm) =	ssettm $0x7FFFFFFF  }
0xc3: {  	_ =	shalt  }
tec
execute0_lowered:
.L_overlay_start_1:
0x0: {  	(tag) =	ssettag $0x1  }
0x1: {  	s1 =	rddreg [dreg:$0x0]  }
0x2: {  	s4 =	rddreg [dreg:$0x1]  }
0x3: {  	s0 =	rddreg [dreg:$0x2];
	s5 =	srdreg.scid  }
0x4: {  	s3 =	simm.s32 $0x0;
	s2 =	stileid.u32;
	s9 =	simm.s32 $0x400  }
0x5: {  	s10 =	simm.s32 $0x1;
	s11 =	simm.s32 $0x4100;
	s5 =	sand.u32 $0x1, s5  }
0x6: {  	[smem:$0x7FF] =	sst s3;
	s7 =	sshll.u32 s2, $0x1;
	s6 =	ssub.s32 $0x2, s5  }
0x7: {  	s4 =	sadd.s32 $0xE00, s4;
	s7 =	sor.u32 s5, s7;
	s8 =	sshrl.u32 s6, $0x1  }
0x8: {  	v1 =	vlaneseq.u32;
	_ =	strace $0x80000047;
	s5 =	sshll.u32 s7, $0xB;
	s8 =	ssub.s32 s6, s8  }
0x9: {  	v0 =	vimm.f32 $0.0e+00;
	v2 =	vimm.f32 $1.000000000e+00;
	v1 =	vmul.u32 $0x400, v1;
	s6 =	sshll.u32 s7, $0xD;
	s7 =	smax.u32 s8, $0x1;
	s8 =	simm.s32 $0x80  }
.LBB2_1:
0xa: {  	s13 =	simm.s32 $0x0;
	s12 =	simm.s32 $0x200  }
.LBB2_2:
0xb: {  	p0 =	sne.s32 s12, $0xFE00;
	[tilespmem:s13+$0x170] =	vst v0  }
0xc: {  	[tilespmem:s13+$0x100] =	vst v0  }
0xd: {  	[tilespmem:s13+$0x110] =	vst v0  }
.Ltmp0:
0xe: {  	[tilespmem:s13+$0x120] =	vst v0;
	(pc) =	sbr.rel @p0 .LBB2_2-.Ltmp0, $4  }
0xf: {  	[tilespmem:s13+$0x130] =	vst v0  }
0x10: {  	[tilespmem:s13+$0x140] =	vst v0  }
0x11: {  	[tilespmem:s13+$0x150] =	vst v0  }
0x12: {  	[tilespmem:s13+$0x160] =	vst v0;
	s13 =	sshra.s32 s12, $0x2;
	s12 =	sadd.s32 $0x200, s12  }
0x13: {  	[tilespmem:s13+$0x170] =	vst v0  }
0x14: {  	[tilespmem:s13+$0x100] =	vst v0  }
0x15: {  	[tilespmem:s13+$0x110] =	vst v0  }
0x16: {  	[tilespmem:s13+$0x120] =	vst v0  }
0x17: {  	[tilespmem:s13+$0x130] =	vst v0  }
0x18: {  	[tilespmem:s13+$0x140] =	vst v0  }
0x19: {  	[tilespmem:s13+$0x150] =	vst v0  }
0x1a: {  	s12 =	simm.s32 $0x0;
	[tilespmem:s13+$0x160] =	vst v0;
	s13 =	simm.s32 $0x0  }
.LBB2_4:
0x1b: {  	s14 =	sshll.u32 s13, $0x7  }
0x1c: {  	s15 =	sadd.s32 s5, s14  }
0x1d: {  	s15 =	sshrl.u32 s15, $0x3  }
0x1e: {  	s15 =	sadd.s32 s1, s15  }
0x1f: {  	[tilespmem:s12], [sflag:$0x1] =	stream.strided.gather [hbm4b:s15+s8], $0x100, s9, s8, $0x38;
	[tilespmem:$0x4500] =	vst v63  }
0x20: {  	_ =	swait.ge [sflag:s10], $0x100  }
0x21: {  	[sflag:s10] =	ssyncset.done $0x0  }
0x22: {  	[sflag:s10] =	ssyncadd.s32 $0xFFFFFF00  }
0x23: {  	v3 =	vld [tilespmem:$0x0];
	_ =	sdelay $0x4  }
0x24: {  	v3 =	vadd.s32 v1, v3;
	_ =	sdelay $0x3  }
0x25: {  	s15 =	simm.s32 $0x100  }
0x26: {  	[tilespmem:v3+s15+$0x0] =	vst.idx.add.f32.msk $0xffff, v2  }
0x27: {  	v3 =	vld [tilespmem:$0x10];
	_ =	sdelay $0x4  }
0x28: {  	v3 =	vadd.s32 v1, v3;
	_ =	sdelay $0x4  }
0x29: {  	[tilespmem:v3+s15+$0x0] =	vst.idx.add.f32.msk $0xffff, v2  }
0x2a: {  	v3 =	vld [tilespmem:$0x20];
	_ =	sdelay $0x4  }
0x2b: {  	v3 =	vadd.s32 v1, v3;
	_ =	sdelay $0x4  }
0x2c: {  	[tilespmem:v3+s15+$0x0] =	vst.idx.add.f32.msk $0xffff, v2  }
0x2d: {  	v3 =	vld [tilespmem:$0x30];
	_ =	sdelay $0x4  }
0x2e: {  	v3 =	vadd.s32 v1, v3;
	_ =	sdelay $0x4  }
0x2f: {  	[tilespmem:v3+s15+$0x0] =	vst.idx.add.f32.msk $0xffff, v2  }
0x30: {  	v3 =	vld [tilespmem:$0x40];
	_ =	sdelay $0x4  }
0x31: {  	v3 =	vadd.s32 v1, v3;
	_ =	sdelay $0x4  }
0x32: {  	[tilespmem:v3+s15+$0x0] =	vst.idx.add.f32.msk $0xffff, v2  }
0x33: {  	v3 =	vld [tilespmem:$0x50];
	_ =	sdelay $0x4  }
0x34: {  	v3 =	vadd.s32 v1, v3;
	_ =	sdelay $0x4  }
0x35: {  	[tilespmem:v3+s15+$0x0] =	vst.idx.add.f32.msk $0xffff, v2  }
0x36: {  	v3 =	vld [tilespmem:$0x60];
	_ =	sdelay $0x4  }
0x37: {  	v3 =	vadd.s32 v1, v3;
	_ =	sdelay $0x4  }
0x38: {  	[tilespmem:v3+s15+$0x0] =	vst.idx.add.f32.msk $0xffff, v2  }
0x39: {  	v3 =	vld [tilespmem:$0x70];
	_ =	sdelay $0x4  }
0x3a: {  	v3 =	vadd.s32 v1, v3;
	_ =	sdelay $0x4  }
0x3b: {  	[tilespmem:v3+s15+$0x0] =	vst.idx.add.f32.msk $0xffff, v2  }
0x3c: {  	v3 =	vld [tilespmem:$0x80];
	_ =	sdelay $0x4  }
0x3d: {  	v3 =	vadd.s32 v1, v3;
	_ =	sdelay $0x4  }
0x3e: {  	[tilespmem:v3+s15+$0x0] =	vst.idx.add.f32.msk $0xffff, v2  }
0x3f: {  	v3 =	vld [tilespmem:$0x90];
	_ =	sdelay $0x4  }
0x40: {  	v3 =	vadd.s32 v1, v3;
	_ =	sdelay $0x4  }
0x41: {  	[tilespmem:v3+s15+$0x0] =	vst.idx.add.f32.msk $0xffff, v2  }
0x42: {  	v3 =	vld [tilespmem:$0xA0];
	_ =	sdelay $0x4  }
0x43: {  	v3 =	vadd.s32 v1, v3;
	_ =	sdelay $0x4  }
0x44: {  	[tilespmem:v3+s15+$0x0] =	vst.idx.add.f32.msk $0xffff, v2  }
0x45: {  	v3 =	vld [tilespmem:$0xB0];
	_ =	sdelay $0x4  }
0x46: {  	v3 =	vadd.s32 v1, v3;
	_ =	sdelay $0x4  }
0x47: {  	[tilespmem:v3+s15+$0x0] =	vst.idx.add.f32.msk $0xffff, v2  }
0x48: {  	v3 =	vld [tilespmem:$0xC0];
	_ =	sdelay $0x4  }
0x49: {  	v3 =	vadd.s32 v1, v3;
	_ =	sdelay $0x4  }
0x4a: {  	[tilespmem:v3+s15+$0x0] =	vst.idx.add.f32.msk $0xffff, v2  }
0x4b: {  	v3 =	vld [tilespmem:$0xD0];
	_ =	sdelay $0x4  }
0x4c: {  	v3 =	vadd.s32 v1, v3;
	_ =	sdelay $0x4  }
0x4d: {  	[tilespmem:v3+s15+$0x0] =	vst.idx.add.f32.msk $0xffff, v2  }
0x4e: {  	v3 =	vld [tilespmem:$0xE0];
	_ =	sdelay $0x4  }
0x4f: {  	v3 =	vadd.s32 v1, v3;
	_ =	sdelay $0x4  }
0x50: {  	[tilespmem:v3+s15+$0x0] =	vst.idx.add.f32.msk $0xffff, v2  }
0x51: {  	v3 =	vld [tilespmem:$0xF0];
	_ =	sdelay $0x4  }
0x52: {  	v3 =	vadd.s32 v1, v3;
	_ =	sdelay $0x4  }
0x53: {  	[tilespmem:v3+s15+$0x0] =	vst.idx.add.f32.msk $0xffff, v2  }
0x54: {  	s18 =	sand.u32 $0x3F0, s12;
	v3 =	vld [tilespmem:s15+$0x0];
	[tilespmem:s15+$0x0] =	vst v0  }
0x55: {  	v4 =	vld [tilespmem:s18+$0x500];
	_ =	sdelay $0x1  }
0x56: {  	v5 =	vld [tilespmem:s18+$0x900];
	_ =	sdelay $0x1  }
0x57: {  	v6 =	vld [tilespmem:s18+$0xD00]  }
0x58: {  	v3 =	vadd.f32 v4, v3  }
0x59: {  	v4 =	vld [tilespmem:s18+$0x1100]  }
0x5a: {  	v3 =	vadd.f32 v5, v3  }
0x5b: {  	v5 =	vld [tilespmem:s18+$0x1500]  }
0x5c: {  	v3 =	vadd.f32 v6, v3  }
0x5d: {  	v60 =	vld [tilespmem:s18+$0x1900]  }
0x5e: {  	v3 =	vadd.f32 v4, v3  }
0x5f: {  	v4 =	vld [tilespmem:s18+$0x1D00]  }
0x60: {  	v3 =	vadd.f32 v5, v3  }
0x61: {  	v5 =	vld [tilespmem:s18+$0x2100]  }
0x62: {  	v3 =	vadd.f32 v60, v3  }
0x63: {  	v61 =	vld [tilespmem:s18+$0x2500]  }
0x64: {  	v3 =	vadd.f32 v4, v3  }
0x65: {  	v4 =	vld [tilespmem:s18+$0x2900]  }
0x66: {  	[tilespmem:s18+$0x500] =	vst v0;
	v3 =	vadd.f32 v5, v3  }
0x67: {  	[tilespmem:s18+$0x900] =	vst v0;
	v5 =	vld [tilespmem:s18+$0x2D00]  }
0x68: {  	[tilespmem:s18+$0xD00] =	vst v0;
	v3 =	vadd.f32 v61, v3  }
0x69: {  	v62 =	vld [tilespmem:s18+$0x3100];
	[tilespmem:s18+$0x1900] =	vst v0  }
0x6a: {  	[tilespmem:s18+$0x2500] =	vst v0;
	v3 =	vadd.f32 v4, v3  }
0x6b: {  	[tilespmem:s18+$0x3100] =	vst v0;
	v4 =	vld [tilespmem:s18+$0x3500]  }
0x6c: {  	v63 =	vld [tilespmem:s18+$0x3D00];
	[tilespmem:s18+$0x3D00] =	vst v0;
	v3 =	vadd.f32 v5, v3  }
0x6d: {  	[tilespmem:s18+$0x1100] =	vst v0;
	v5 =	vld [tilespmem:s18+$0x3900]  }
0x6e: {  	[tilespmem:s18+$0x1500] =	vst v0;
	v3 =	vadd.f32 v62, v3  }
0x6f: {  	[tilespmem:s18+$0x1D00] =	vst v0  }
0x70: {  	[tilespmem:s18+$0x2100] =	vst v0;
	v3 =	vadd.f32 v4, v3  }
0x71: {  	[tilespmem:s18+$0x2900] =	vst v0  }
0x72: {  	[tilespmem:s18+$0x2D00] =	vst v0;
	v3 =	vadd.f32 v5, v3  }
0x73: {  	[tilespmem:s18+$0x3500] =	vst v0  }
0x74: {  	s16 =	simm.s32 $0x4100;
	s17 =	simm.s32 $0x10;
	[tilespmem:s18+$0x3900] =	vst v0;
	v3 =	vadd.f32 v63, v3  }
.LBB2_5:
0x75: {  	_ = 	snop  }
0x76: {  	p0 =	sne.s32 s17, $0x3F0;
	s15 =	sadd.s32 $0x10, s15;
	[tilespmem:s16+$0x0] =	vst v3;
	s16 =	sadd.s32 $0x10, s16  }
0x77: {  	s18 =	smov.u32 s17;
	s17 =	sadd.s32 $0x10, s17;
	v3 =	vld [tilespmem:s15+$0x0]  }
0x78: {  	s18 =	sand.u32 $0x3F0, s18;
	[tilespmem:s15+$0x0] =	vst v0  }
0x79: {  	v4 =	vld [tilespmem:s18+$0x500]  }
0x7a: {  	[tilespmem:s18+$0x500] =	vst v0  }
0x7b: {  	v5 =	vld [tilespmem:s18+$0x900]  }
0x7c: {  	[tilespmem:s18+$0x900] =	vst v0  }
0x7d: {  	v6 =	vld [tilespmem:s18+$0xD00]  }
0x7e: {  	v3 =	vadd.f32 v4, v3;
	[tilespmem:s18+$0xD00] =	vst v0  }
0x7f: {  	v4 =	vld [tilespmem:s18+$0x1100]  }
0x80: {  	v3 =	vadd.f32 v5, v3;
	[tilespmem:s18+$0x1100] =	vst v0  }
0x81: {  	v5 =	vld [tilespmem:s18+$0x1500]  }
0x82: {  	v3 =	vadd.f32 v6, v3;
	[tilespmem:s18+$0x1500] =	vst v0  }
0x83: {  	v6 =	vld [tilespmem:s18+$0x1900]  }
0x84: {  	v3 =	vadd.f32 v4, v3;
	[tilespmem:s18+$0x1900] =	vst v0  }
0x85: {  	v4 =	vld [tilespmem:s18+$0x1D00]  }
0x86: {  	v3 =	vadd.f32 v5, v3;
	[tilespmem:s18+$0x1D00] =	vst v0  }
0x87: {  	v5 =	vld [tilespmem:s18+$0x2100]  }
0x88: {  	v3 =	vadd.f32 v6, v3;
	[tilespmem:s18+$0x2100] =	vst v0  }
0x89: {  	v6 =	vld [tilespmem:s18+$0x2500]  }
0x8a: {  	v3 =	vadd.f32 v4, v3;
	[tilespmem:s18+$0x2500] =	vst v0  }
0x8b: {  	v4 =	vld [tilespmem:s18+$0x2900]  }
0x8c: {  	v3 =	vadd.f32 v5, v3;
	[tilespmem:s18+$0x2900] =	vst v0  }
0x8d: {  	v5 =	vld [tilespmem:s18+$0x2D00]  }
0x8e: {  	v3 =	vadd.f32 v6, v3;
	[tilespmem:s18+$0x2D00] =	vst v0  }
0x8f: {  	v6 =	vld [tilespmem:s18+$0x3100]  }
0x90: {  	v3 =	vadd.f32 v4, v3;
	[tilespmem:s18+$0x3100] =	vst v0  }
0x91: {  	v4 =	vld [tilespmem:s18+$0x3500]  }
0x92: {  	v3 =	vadd.f32 v5, v3;
	[tilespmem:s18+$0x3500] =	vst v0  }
0x93: {  	v5 =	vld [tilespmem:s18+$0x3900]  }
0x94: {  	v3 =	vadd.f32 v6, v3;
	[tilespmem:s18+$0x3900] =	vst v0  }
0x95: {  	v6 =	vld [tilespmem:s18+$0x3D00]  }
.Ltmp1:
0x96: {  	v3 =	vadd.f32 v4, v3;
	[tilespmem:s18+$0x3D00] =	vst v0;
	(pc) =	sbr.rel @p0 .LBB2_5-.Ltmp1, $3  }
0x97: {  	_ = 	snop  }
0x98: {  	v3 =	vadd.f32 v5, v3;
	_ =	sdelay $0x1  }
0x99: {  	v3 =	vadd.f32 v6, v3  }
0x9a: {  	s14 =	sadd.s32 s6, s14;
	s13 =	sadd.s32 $0x1, s13  }
0x9b: {  	s14 =	sshrl.u32 s14, $0x3;
	p0 =	sne.s32 s13, $0x8  }
.Ltmp2:
0x9c: {  	[tilespmem:s16+$0x0] =	vst v3;
	s14 =	sadd.s32 s4, s14;
	(pc) =	sbr.rel @p0 .LBB2_4-.Ltmp2, $4  }
0x9d: {  	[hbm4b:s14+s8] =	stream.strided.scatter [tilespmem:s11], [sflag:$0x1], $0x400, s9, s8, $0x38;
	[tilespmem:$0x4500] =	vst v63  }
0x9e: {  	_ =	swait.ge [sflag:s10], $0x400  }
0x9f: {  	[sflag:s10] =	ssyncset.done $0x0  }
0xa0: {  	[sflag:s10] =	ssyncadd.s32 $0xFFFFFC00  }
0xa1: {  	s3 =	sadd.s32 $0x1, s3  }
0xa2: {  	p0 =	sne.s32 s3, s7  }
.Ltmp3:
0xa3: {  	_ = 	snop;
	(pc) =	sbr.rel @p0 .LBB2_1-.Ltmp3, $1  }
0xa4: {  	_ =	sdelay $0x3  }
0xa5: {  	_ =	sfence.sel $0x180000  }
0xa6: {  	[bflag:$0x0] =	sbarrier.arrive $0xFFFF  }
0xa7: {  	p0 =	sne.s32 s2, $0x0;
	_ =	strace $0x90000047  }
0xa8: {  	s0 =	sadd.s32 @!p0 $0x100000, s0;
	[bflag:$0x2] =	sbarrier.arrive $0xFFFF  }
0xa9: {  	[sflag:s0] =	ssyncadd.tile.s32 @!p0 $0x1;
	_ =	shalt  }
.Lfunc_end2:
_tile_overlayer_lowered:
.L_overlay_start_2:
0xaa: {  	(tag) =	ssettag $0x2  }
0xab: {  	s0 =	rddreg [dreg:$0x0];
	s2 =	stileid.u32  }
0xac: {  	s1 =	rddreg [dreg:$0x1];
	p0 =	sne.s32 s2, $0x0  }
0xad: {  	s3 =	rddreg [dreg:$0x2];
	[bflag:$0x3] =	sbarrier.arrive $0xFFFF;
	s2 =	simm.s32 @!p0 $0x1C01  }
0xae: {  	[timem:s3], [sflag:s2] =	dma.local @!p0 [hbm:s0], s1  }
0xaf: {  	s0 =	simm.s32 @!p0 $0x1  }
0xb0: {  	_ =	swait.ge @!p0 [sflag:s0], s1  }
0xb1: {  	s1 =	ssub.s32 @!p0 $0x0, s1;
	[sflag:s0] =	ssyncset.done @!p0 $0x0  }
0xb2: {  	[sflag:s0] =	ssyncadd.s32 @!p0 s1  }
0xb3: {  	[bflag:$0x3] =	sbarrier.arrive $0xFFFF  }
0xb4: {  	_ =	shalt  }

</sc_bundles>
